<compile_context>
chip_gen: v7x
topology: tpu7x:2x2x1
jax: 0.10.2.dev20260603
libtpu: 0.0.44.dev20260713+nightly
codegen_flags: <defaults>
</compile_context>

<pallas_src>
import functools

import jax
import jax.numpy as jnp
from jax import lax
from jax.experimental import pallas as pl
from jax.experimental.pallas import tpu as pltpu
from jax.experimental.pallas import tpu_sc as plsc

N = 10000
E = 320000
H = 128

NC = 2
NS = 16
NW = NC * NS
K = 128
CH = 80
E_PAD = NW * CH * K
NP = 3
UR = 4000
AC = 4096
RPT = AC // NS



def _scat_body(hs_hbm, src_hbm, dst_hbm, out_hbm,
               idx_s, idx_d, rows0, rows1, zbuf, shared, gs0, gs1):
    c = lax.axis_index("c")
    s = lax.axis_index("s")
    w = c * NS + s
    pltpu.sync_copy(src_hbm.at[w], idx_s)

    @pl.loop(0, RPT)
    def _(i):
        for l in range(H // 16):
            zbuf[i, pl.ds(16 * l, 16)] = jnp.zeros((16,), jnp.int32)

    for p in range(NP):
        pltpu.sync_copy(dst_hbm.at[p, w], idx_d)
        pltpu.sync_copy(zbuf, shared.at[pl.ds(s * RPT, RPT)])
        plsc.subcore_barrier()

        pltpu.async_copy(hs_hbm.at[idx_s.at[0]], rows0, gs0)
        pltpu.async_copy(hs_hbm.at[idx_s.at[1]], rows1, gs1)

        @pl.loop(0, CH, step=2)
        def _(j):
            pltpu.make_async_copy(hs_hbm.at[idx_s.at[j]], rows0, gs0).wait()
            pltpu.sync_copy(rows0, shared.at[idx_d.at[j]], add=True)

            @pl.when(j + 2 < CH)
            def _():
                pltpu.async_copy(hs_hbm.at[idx_s.at[j + 2]], rows0, gs0)

            pltpu.make_async_copy(hs_hbm.at[idx_s.at[j + 1]], rows1, gs1).wait()
            pltpu.sync_copy(rows1, shared.at[idx_d.at[j + 1]], add=True)

            @pl.when(j + 3 < CH)
            def _():
                pltpu.async_copy(hs_hbm.at[idx_s.at[j + 3]], rows1, gs1)

        plsc.subcore_barrier()
        pltpu.sync_copy(shared.at[pl.ds(s * RPT, RPT)],
                        out_hbm.at[c, p, pl.ds(s * RPT, RPT)])


@functools.cache
def _sc_scatter_fn():
    return pl.kernel(
        _scat_body,
        out_type=jax.ShapeDtypeStruct((NC, NP, AC, H), jnp.int32),
        mesh=plsc.VectorSubcoreMesh(core_axis_name="c", subcore_axis_name="s"),
        scratch_types=[
            pltpu.VMEM((CH, K), jnp.int32),
            pltpu.VMEM((CH, K), jnp.int32),
            pltpu.VMEM((K, H), jnp.int32),
            pltpu.VMEM((K, H), jnp.int32),
            pltpu.VMEM((RPT, H), jnp.int32),
            pltpu.VMEM_SHARED((AC, H), jnp.int32),
            pltpu.SemaphoreType.DMA,
            pltpu.SemaphoreType.DMA,
        ],
    )



def _rebuild(q):
    return jnp.concatenate([q[0, :UR], q[1, :UR], q[2, :N - 2 * UR]], axis=0)


def _embed_body(x_ref, emb_ref, wb_ref, bb_ref, wp_ref, bp_ref, wt1_ref,
                wt2_ref, bt_ref, h1_ref):
    x = x_ref[...]
    hx = ((x[:, 0:1] * wb_ref[...] + bb_ref[...])
          + (x[:, 1:2] * wp_ref[...] + bp_ref[...]))
    h1_ref[...] = (
        jnp.dot(hx, wt1_ref[...], preferred_element_type=jnp.float32)
        + jnp.dot(emb_ref[...], wt2_ref[...], preferred_element_type=jnp.float32)
        + bt_ref[...]
    )


def _tc_embed(x, emb, wb, bb, wp, bp, wt1, wt2, bt):
    return pl.pallas_call(
        _embed_body,
        out_shape=jax.ShapeDtypeStruct((N, H), jnp.float32),
    )(x, emb, wb, bb, wp, bp, wt1, wt2, bt)


def _quant_scale(hmax, maxcnt):
    raw = (2.0 ** 30) / (hmax * (maxcnt + 1.0) + 1e-30)
    sc = jnp.exp2(jnp.floor(jnp.log2(raw)))
    return jnp.where(hmax > 0, jnp.minimum(sc, 2.0 ** 40), 1.0)


def _scale_body(s_ref, h1_ref, hsq_ref, hs_ref, dinv_ref, scale_ref, maxc_ref):
    cnt = _rebuild(s_ref[0, :, :, 0:1] + s_ref[1, :, :, 0:1]).astype(jnp.float32)
    dinv = lax.rsqrt(cnt + 1.0)
    hs = h1_ref[...] * dinv
    maxc = jnp.max(cnt)
    hmax = jnp.max(jnp.abs(hs))
    scale = _quant_scale(hmax, maxc)
    hsq_ref[...] = jnp.round(hs * scale).astype(jnp.int32)
    hs_ref[...] = hs
    dinv_ref[...] = dinv
    scale_ref[...] = jnp.full((1, 1), 1.0, jnp.float32) * scale
    maxc_ref[...] = jnp.full((1, 1), 1.0, jnp.float32) * maxc


def _tc_scale(s_acc, h1):
    return pl.pallas_call(
        _scale_body,
        out_shape=(
            jax.ShapeDtypeStruct((N, H), jnp.int32),
            jax.ShapeDtypeStruct((N, H), jnp.float32),
            jax.ShapeDtypeStruct((N, 1), jnp.float32),
            jax.ShapeDtypeStruct((1, 1), jnp.float32),
            jax.ShapeDtypeStruct((1, 1), jnp.float32),
        ),
    )(s_acc, h1)


def _gcn_body(s_ref, hs_ref, dinv_ref, scale_ref, maxc_ref, w_ref, b_ref,
              h_ref, hsnq_ref, hsn_ref, scalen_ref):
    dinv = dinv_ref[...]
    inv_scale = 1.0 / scale_ref[0, 0]
    ssum = _rebuild(s_ref[0] + s_ref[1]).astype(jnp.float32) * inv_scale
    agg = (ssum + hs_ref[...]) * dinv
    h = jnp.maximum(
        jnp.dot(agg, w_ref[...], preferred_element_type=jnp.float32) + b_ref[...],
        0.0,
    )
    hsn = h * dinv
    hmax = jnp.max(jnp.abs(hsn))
    scale = _quant_scale(hmax, maxc_ref[0, 0])
    h_ref[...] = h
    hsnq_ref[...] = jnp.round(hsn * scale).astype(jnp.int32)
    hsn_ref[...] = hsn
    scalen_ref[...] = jnp.full((1, 1), 1.0, jnp.float32) * scale


def _tc_gcn(s_acc, hs, dinv, scale, maxc, w, b):
    return pl.pallas_call(
        _gcn_body,
        out_shape=(
            jax.ShapeDtypeStruct((N, H), jnp.float32),
            jax.ShapeDtypeStruct((N, H), jnp.int32),
            jax.ShapeDtypeStruct((N, H), jnp.float32),
            jax.ShapeDtypeStruct((1, 1), jnp.float32),
        ),
    )(s_acc, hs, dinv, scale, maxc, w, b)


def _mlp_body(h3_ref, m1_ref, mb1_ref, g1_ref, be1_ref, m2_ref, mb2_ref,
              g2_ref, be2_ref, m3r_ref, mb3_ref, out_ref):
    eps = 1e-5
    y1 = jnp.dot(h3_ref[...], m1_ref[...], preferred_element_type=jnp.float32) + mb1_ref[...]
    mu1 = jnp.mean(y1, axis=0, keepdims=True)
    v1 = jnp.mean((y1 - mu1) * (y1 - mu1), axis=0, keepdims=True)
    z1 = jnp.maximum((y1 - mu1) * lax.rsqrt(v1 + eps) * g1_ref[...] + be1_ref[...], 0.0)
    y2 = jnp.dot(z1, m2_ref[...], preferred_element_type=jnp.float32) + mb2_ref[...]
    mu2 = jnp.mean(y2, axis=0, keepdims=True)
    v2 = jnp.mean((y2 - mu2) * (y2 - mu2), axis=0, keepdims=True)
    z2 = jnp.maximum((y2 - mu2) * lax.rsqrt(v2 + eps) * g2_ref[...] + be2_ref[...], 0.0)
    out_ref[...] = jnp.dot(z2, m3r_ref[...], preferred_element_type=jnp.float32) + mb3_ref[...]


def _tc_mlp(h3, m1, mb1, g1, be1, m2, mb2, g2, be2, m3r, mb3):
    return pl.pallas_call(
        _mlp_body,
        out_shape=jax.ShapeDtypeStruct((N, 1), jnp.float32),
    )(h3, m1, mb1, g1, be1, m2, mb2, g2, be2, m3r, mb3)



def kernel(x, edge_index, Wp, bp, Wb, bb, emb, Wt, bt, Wg1, bg1, Wg2, bg2,
           M1, mb1, g1, be1, M2, mb2, g2, be2, M3, mb3):
    src = edge_index[0]
    dst = edge_index[1]
    npad = E_PAD - E
    src3 = jnp.concatenate([src, jnp.zeros((npad,), jnp.int32)]).reshape(NW, CH, K)
    dstp = jnp.concatenate([dst, N + (jnp.arange(npad, dtype=jnp.int32) % (NP * UR - N))])
    passes = []
    for p in range(NP):
        local = dstp - p * UR
        ok = (local >= 0) & (local < UR)
        passes.append(jnp.where(ok, local, UR + (dstp & 63)))
    dst3 = jnp.stack(passes).reshape(NP, NW, CH, K)

    wt1, wt2 = Wt[:H], Wt[H:]

    h1 = _tc_embed(x, emb, Wb, bb[None, :], Wp, bp[None, :], wt1, wt2,
                   bt[None, :])

    wg = jnp.stack([Wg1, Wg1, Wg2])
    bg = jnp.stack([bg1[None, :], bg1[None, :], bg2[None, :]])

    def step(carry, xs):
        hsq, hs, dinv, scale, maxc, h = carry
        i, w, b = xs
        s_acc = _sc_scatter_fn()(hsq, src3, dst3)

        def branch_deg(_):
            hsq1, hs1, dinv1, scale1, maxc1 = _tc_scale(s_acc, h1)
            return hsq1, hs1, dinv1, scale1, maxc1, h

        def branch_gcn(_):
            hn, hsnq, hsn, scalen = _tc_gcn(s_acc, hs, dinv, scale, maxc, w, b)
            return hsnq, hsn, dinv, scalen, maxc, hn

        return lax.cond(i == 0, branch_deg, branch_gcn, None), None

    init = (jnp.ones((N, H), jnp.int32),
            jnp.ones((N, H), jnp.float32),
            jnp.zeros((N, 1), jnp.float32),
            jnp.ones((1, 1), jnp.float32),
            jnp.zeros((1, 1), jnp.float32),
            jnp.zeros((N, H), jnp.float32))
    (_, _, _, _, _, h3), _ = lax.scan(step, init, (jnp.arange(3), wg, bg))

    return _tc_mlp(h3, M1, mb1[None, :], g1[None, :], be1[None, :],
                   M2, mb2[None, :], g2[None, :], be2[None, :],
                   M3, mb3[None, :])

# --- scband reference (transcript-rebuilt; emitter-appended) ---
"""Pipeline reference for scband-gnn-disentangle-35691178230485 (READ-ONLY COPY).

The authoritative reference and input builder live on the scoring server;
editing this copy changes nothing except your own understanding.
"""

import jax, jax.numpy as jnp
import numpy as np

N = 10000
E = 320000
H = 128


def setup_inputs(seed: int = 0) -> dict:
    key = jax.random.key(seed)
    ks = jax.random.split(key, 24)
    s = 0.05
    inp = {}
    inp["x"] = jax.random.uniform(ks[0], (N, 2), dtype=jnp.float32)
    inp["edge_index"] = jax.random.randint(ks[1], (2, E), 0, N, dtype=jnp.int32)
    # pert_w: Linear(1, H); gene_basal_w: Linear(1, H)
    inp["Wp"] = s * jax.random.normal(ks[2], (1, H), dtype=jnp.float32)
    inp["bp"] = s * jax.random.normal(ks[3], (H,), dtype=jnp.float32)
    inp["Wb"] = s * jax.random.normal(ks[4], (1, H), dtype=jnp.float32)
    inp["bb"] = s * jax.random.normal(ks[5], (H,), dtype=jnp.float32)
    # gene embedding table [num_genes, H] and emb_trans: Linear(2H, H)
    inp["emb"] = s * jax.random.normal(ks[6], (N, H), dtype=jnp.float32)
    inp["Wt"] = s * jax.random.normal(ks[7], (2 * H, H), dtype=jnp.float32)
    inp["bt"] = s * jax.random.normal(ks[8], (H,), dtype=jnp.float32)
    # two GCNConv layers
    inp["Wg1"] = s * jax.random.normal(ks[9], (H, H), dtype=jnp.float32)
    inp["bg1"] = s * jax.random.normal(ks[10], (H,), dtype=jnp.float32)
    inp["Wg2"] = s * jax.random.normal(ks[11], (H, H), dtype=jnp.float32)
    inp["bg2"] = s * jax.random.normal(ks[12], (H,), dtype=jnp.float32)
    # recovery_w MLP: sizes [H, 2H, H, 1] with BatchNorm on first two layers
    inp["M1"] = s * jax.random.normal(ks[13], (H, 2 * H), dtype=jnp.float32)
    inp["mb1"] = s * jax.random.normal(ks[14], (2 * H,), dtype=jnp.float32)
    inp["g1"] = jnp.ones((2 * H,), dtype=jnp.float32)
    inp["be1"] = jnp.zeros((2 * H,), dtype=jnp.float32)
    inp["M2"] = s * jax.random.normal(ks[15], (2 * H, H), dtype=jnp.float32)
    inp["mb2"] = s * jax.random.normal(ks[16], (H,), dtype=jnp.float32)
    inp["g2"] = jnp.ones((H,), dtype=jnp.float32)
    inp["be2"] = jnp.zeros((H,), dtype=jnp.float32)
    inp["M3"] = s * jax.random.normal(ks[17], (H, 1), dtype=jnp.float32)
    inp["mb3"] = s * jax.random.normal(ks[18], (1,), dtype=jnp.float32)
    return inp


def _batchnorm(x, g, b, eps=1e-5):
    m = jnp.mean(x, axis=0)
    v = jnp.var(x, axis=0)
    return (x - m) / jnp.sqrt(v + eps) * g + b


def _gcn(h, src, dst, W, b, n):
    # GCNConv with added self-loops and symmetric normalization
    deg = jnp.zeros((n,), dtype=h.dtype).at[dst].add(1.0) + 1.0
    dinv = jax.lax.rsqrt(deg)
    norm = (dinv[src] * dinv[dst])[:, None]
    msg = jnp.take(h, src, axis=0) * norm
    agg = jnp.zeros_like(h).at[dst].add(msg)
    agg = agg + h * (dinv * dinv)[:, None]  # self-loop contribution
    return agg @ W + b


def reference(x, edge_index, Wp, bp, Wb, bb, emb, Wt, bt, Wg1, bg1, Wg2, bg2, M1, mb1, g1, be1, M2, mb2, g2, be2, M3, mb3):
    src = edge_index[0]
    dst = edge_index[1]
    base = x[:, 0:1]
    pert = x[:, 1:2]
    base_emb = base @ Wb + bb
    pert_emb = pert @ Wp + bp
    h = base_emb + pert_emb  # gene_pert_agg == 'sum'
    # gene_emb: lookup per-node gene embedding and transform (delta_predict=False -> concat)
    gene_idx = jnp.arange(N) % emb.shape[0]
    ge = jnp.take(emb, gene_idx, axis=0)
    h = jnp.concatenate([h, ge], axis=1) @ Wt + bt
    # message passing layers with ReLU activation
    h = jax.nn.relu(_gcn(h, src, dst, Wg1, bg1, N))
    h = jax.nn.relu(_gcn(h, src, dst, Wg2, bg2, N))
    # recovery_w MLP [H, 2H, H, 1]
    z = jax.nn.relu(_batchnorm(h @ M1 + mb1, g1, be1))
    z = jax.nn.relu(_batchnorm(z @ M2 + mb2, g2, be2))
    out = z @ M3 + mb3
    return out

if __name__ == "__main__":
    import jax
    _d = setup_inputs()
    print(jax.jit(kernel)(*tuple(_d.values())))

</pallas_src>

<mosaic_0001>
#map = affine_map<(d0, d1) -> (0, 0)>
#map1 = affine_map<(d0, d1) -> (0, 0, 0)>
#map2 = affine_map<(d0, d1) -> (0, 0, 0, 0)>
module attributes {stable_mosaic.version = 14 : i64} {
  func.func @_scat_body(%arg0: i32, %arg1: i32, %arg2: memref<10000x128xi32, #tpu.memory_space<hbm>>, %arg3: memref<32x80x128xi32, #tpu.memory_space<hbm>>, %arg4: memref<3x32x80x128xi32, #tpu.memory_space<hbm>>, %arg5: memref<2x3x4096x128xi32, #tpu.memory_space<hbm>>, %arg6: memref<80x128xi32, #tpu.memory_space<vmem>>, %arg7: memref<80x128xi32, #tpu.memory_space<vmem>>, %arg8: memref<128x128xi32, #tpu.memory_space<vmem>>, %arg9: memref<128x128xi32, #tpu.memory_space<vmem>>, %arg10: memref<256x128xi32, #tpu.memory_space<vmem>>, %arg11: memref<4096x128xi32, #tpu.memory_space<vmem_shared>>, %arg12: memref<!tpu.dma_semaphore, #tpu.memory_space<semaphore_mem>>, %arg13: memref<!tpu.dma_semaphore, #tpu.memory_space<semaphore_mem>>) attributes {dimension_semantics = [#tpu.dimension_semantics<core_parallel>, #tpu.dimension_semantics<subcore_parallel>], iteration_bounds = array<i64: 2, 16>, scalar_prefetch = 0 : i64, scratch_operands = 8 : i64, tpu.core_type = #tpu.core_type<sc_vector_subcore>, window_params = [{transform_indices = #map}, {transform_indices = #map1}, {transform_indices = #map2}, {transform_indices = #map2}]} {
    %mul3A = arith.constant 16 : i32
    %mul3A_0 = arith.muli %arg0, %mul3A : i32
    %add3A = arith.addi %mul3A_0, %arg1 : i32
    "tpu.region"() ({
      %run_scoped3A_89 = tpu.sem_alloc : memref<!tpu.dma_semaphore, #tpu.memory_space<semaphore_mem>>
      %dma_start3A_90 = arith.constant 0 : i32
      %dma_start3A_91 = arith.constant 0 : i32
      %dma_start3A_92 = tpu.memref_slice %arg3[%add3A, %dma_start3A_90, %dma_start3A_91] : memref<32x80x128xi32, #tpu.memory_space<hbm>> -> memref<1x80x128xi32, #tpu.memory_space<hbm>>
      %dma_start3A_93 = tpu.memref_squeeze %dma_start3A_92 : memref<1x80x128xi32, #tpu.memory_space<hbm>> -> memref<80x128xi32, #tpu.memory_space<hbm>>
      %dma_start3A_94 = arith.constant 0 : i32
      %dma_start3A_95 = arith.constant 0 : i32
      %dma_start3A_96 = tpu.memref_slice %arg3[%add3A, %dma_start3A_94, %dma_start3A_95] : memref<32x80x128xi32, #tpu.memory_space<hbm>> -> memref<1x80x128xi32, #tpu.memory_space<hbm>>
      %dma_start3A_97 = tpu.memref_squeeze %dma_start3A_96 : memref<1x80x128xi32, #tpu.memory_space<hbm>> -> memref<80x128xi32, #tpu.memory_space<hbm>>
      tpu.enqueue_dma source(%dma_start3A_97 : memref<80x128xi32, #tpu.memory_space<hbm>>) target(%arg6 : memref<80x128xi32, #tpu.memory_space<vmem>>) target_semaphore(%run_scoped3A_89 : memref<!tpu.dma_semaphore, #tpu.memory_space<semaphore_mem>>)
      %dma_wait3A = arith.constant 0 : i32
      %dma_wait3A_98 = arith.constant 0 : i32
      %dma_wait3A_99 = tpu.memref_slice %arg3[%add3A, %dma_wait3A, %dma_wait3A_98] : memref<32x80x128xi32, #tpu.memory_space<hbm>> -> memref<1x80x128xi32, #tpu.memory_space<hbm>>
      %dma_wait3A_100 = tpu.memref_squeeze %dma_wait3A_99 : memref<1x80x128xi32, #tpu.memory_space<hbm>> -> memref<80x128xi32, #tpu.memory_space<hbm>>
      %dma_wait3A_101 = arith.constant 0 : i32
      %dma_wait3A_102 = arith.constant 0 : i32
      %dma_wait3A_103 = tpu.memref_slice %arg3[%add3A, %dma_wait3A_101, %dma_wait3A_102] : memref<32x80x128xi32, #tpu.memory_space<hbm>> -> memref<1x80x128xi32, #tpu.memory_space<hbm>>
      %dma_wait3A_104 = tpu.memref_squeeze %dma_wait3A_103 : memref<1x80x128xi32, #tpu.memory_space<hbm>> -> memref<80x128xi32, #tpu.memory_space<hbm>>
      tpu.wait_dma2 semaphore(%run_scoped3A_89 : memref<!tpu.dma_semaphore, #tpu.memory_space<semaphore_mem>>) src(%dma_wait3A_104 : memref<80x128xi32, #tpu.memory_space<hbm>>) dst(%arg6 : memref<80x128xi32, #tpu.memory_space<vmem>>)
      tpu.yield
    }) : () -> ()
    %scan3A = arith.constant 0 : i32
    %scan3A_1 = arith.constant 256 : i32
    %scan3A_2 = arith.addi %scan3A, %scan3A_1 : i32
    %scan3A_3 = arith.constant 1 : i32
    scf.for %scan3A_89 = %scan3A to %scan3A_2 step %scan3A_3  : i32 {
      %mul3A_90 = arith.constant 1 : i32
      %mul3A_91 = arith.muli %scan3A_89, %mul3A_90 : i32
      %add3A_92 = arith.constant 0 : i32
      %add3A_93 = arith.addi %add3A_92, %mul3A_91 : i32
      %broadcast_in_dim3A = arith.constant 0 : i32
      %broadcast_in_dim3A_94 = vector.broadcast %broadcast_in_dim3A : i32 to vector<16xi32>
      %swap3A = arith.index_cast %add3A_93 : i32 to index
      %swap3A_95 = arith.constant 0 : index
      %swap3A_96 = tpu.vector_load %arg10[%swap3A, %swap3A_95] {strides = array<i32>} : memref<256x128xi32, #tpu.memory_space<vmem>>, vector<1x16xi32>,
      %swap3A_97 = vector.shape_cast %swap3A_96 : vector<1x16xi32> to vector<16xi32>
      %swap3A_98 = vector.shape_cast %broadcast_in_dim3A_94 : vector<16xi32> to vector<1x16xi32>
      tpu.vector_store %arg10[%swap3A, %swap3A_95], %swap3A_98 {strides = array<i32>} : memref<256x128xi32, #tpu.memory_space<vmem>>, vector<1x16xi32>,
      %broadcast_in_dim3A_99 = arith.constant 0 : i32
      %broadcast_in_dim3A_100 = vector.broadcast %broadcast_in_dim3A_99 : i32 to vector<16xi32>
      %swap3A_101 = arith.index_cast %add3A_93 : i32 to index
      %swap3A_102 = arith.constant 16 : index
      %swap3A_103 = tpu.vector_load %arg10[%swap3A_101, %swap3A_102] {strides = array<i32>} : memref<256x128xi32, #tpu.memory_space<vmem>>, vector<1x16xi32>,
      %swap3A_104 = vector.shape_cast %swap3A_103 : vector<1x16xi32> to vector<16xi32>
      %swap3A_105 = vector.shape_cast %broadcast_in_dim3A_100 : vector<16xi32> to vector<1x16xi32>
      tpu.vector_store %arg10[%swap3A_101, %swap3A_102], %swap3A_105 {strides = array<i32>} : memref<256x128xi32, #tpu.memory_space<vmem>>, vector<1x16xi32>,
      %broadcast_in_dim3A_106 = arith.constant 0 : i32
      %broadcast_in_dim3A_107 = vector.broadcast %broadcast_in_dim3A_106 : i32 to vector<16xi32>
      %swap3A_108 = arith.index_cast %add3A_93 : i32 to index
      %swap3A_109 = arith.constant 32 : index
      %swap3A_110 = tpu.vector_load %arg10[%swap3A_108, %swap3A_109] {strides = array<i32>} : memref<256x128xi32, #tpu.memory_space<vmem>>, vector<1x16xi32>,
      %swap3A_111 = vector.shape_cast %swap3A_110 : vector<1x16xi32> to vector<16xi32>
      %swap3A_112 = vector.shape_cast %broadcast_in_dim3A_107 : vector<16xi32> to vector<1x16xi32>
      tpu.vector_store %arg10[%swap3A_108, %swap3A_109], %swap3A_112 {strides = array<i32>} : memref<256x128xi32, #tpu.memory_space<vmem>>, vector<1x16xi32>,
      %broadcast_in_dim3A_113 = arith.constant 0 : i32
      %broadcast_in_dim3A_114 = vector.broadcast %broadcast_in_dim3A_113 : i32 to vector<16xi32>
      %swap3A_115 = arith.index_cast %add3A_93 : i32 to index
      %swap3A_116 = arith.constant 48 : index
      %swap3A_117 = tpu.vector_load %arg10[%swap3A_115, %swap3A_116] {strides = array<i32>} : memref<256x128xi32, #tpu.memory_space<vmem>>, vector<1x16xi32>,
      %swap3A_118 = vector.shape_cast %swap3A_117 : vector<1x16xi32> to vector<16xi32>
      %swap3A_119 = vector.shape_cast %broadcast_in_dim3A_114 : vector<16xi32> to vector<1x16xi32>
      tpu.vector_store %arg10[%swap3A_115, %swap3A_116], %swap3A_119 {strides = array<i32>} : memref<256x128xi32, #tpu.memory_space<vmem>>, vector<1x16xi32>,
      %broadcast_in_dim3A_120 = arith.constant 0 : i32
      %broadcast_in_dim3A_121 = vector.broadcast %broadcast_in_dim3A_120 : i32 to vector<16xi32>
      %swap3A_122 = arith.index_cast %add3A_93 : i32 to index
      %swap3A_123 = arith.constant 64 : index
      %swap3A_124 = tpu.vector_load %arg10[%swap3A_122, %swap3A_123] {strides = array<i32>} : memref<256x128xi32, #tpu.memory_space<vmem>>, vector<1x16xi32>,
      %swap3A_125 = vector.shape_cast %swap3A_124 : vector<1x16xi32> to vector<16xi32>
      %swap3A_126 = vector.shape_cast %broadcast_in_dim3A_121 : vector<16xi32> to vector<1x16xi32>
      tpu.vector_store %arg10[%swap3A_122, %swap3A_123], %swap3A_126 {strides = array<i32>} : memref<256x128xi32, #tpu.memory_space<vmem>>, vector<1x16xi32>,
      %broadcast_in_dim3A_127 = arith.constant 0 : i32
      %broadcast_in_dim3A_128 = vector.broadcast %broadcast_in_dim3A_127 : i32 to vector<16xi32>
      %swap3A_129 = arith.index_cast %add3A_93 : i32 to index
      %swap3A_130 = arith.constant 80 : index
      %swap3A_131 = tpu.vector_load %arg10[%swap3A_129, %swap3A_130] {strides = array<i32>} : memref<256x128xi32, #tpu.memory_space<vmem>>, vector<1x16xi32>,
      %swap3A_132 = vector.shape_cast %swap3A_131 : vector<1x16xi32> to vector<16xi32>
      %swap3A_133 = vector.shape_cast %broadcast_in_dim3A_128 : vector<16xi32> to vector<1x16xi32>
      tpu.vector_store %arg10[%swap3A_129, %swap3A_130], %swap3A_133 {strides = array<i32>} : memref<256x128xi32, #tpu.memory_space<vmem>>, vector<1x16xi32>,
      %broadcast_in_dim3A_134 = arith.constant 0 : i32
      %broadcast_in_dim3A_135 = vector.broadcast %broadcast_in_dim3A_134 : i32 to vector<16xi32>
      %swap3A_136 = arith.index_cast %add3A_93 : i32 to index
      %swap3A_137 = arith.constant 96 : index
      %swap3A_138 = tpu.vector_load %arg10[%swap3A_136, %swap3A_137] {strides = array<i32>} : memref<256x128xi32, #tpu.memory_space<vmem>>, vector<1x16xi32>,
      %swap3A_139 = vector.shape_cast %swap3A_138 : vector<1x16xi32> to vector<16xi32>
      %swap3A_140 = vector.shape_cast %broadcast_in_dim3A_135 : vector<16xi32> to vector<1x16xi32>
      tpu.vector_store %arg10[%swap3A_136, %swap3A_137], %swap3A_140 {strides = array<i32>} : memref<256x128xi32, #tpu.memory_space<vmem>>, vector<1x16xi32>,
      %broadcast_in_dim3A_141 = arith.constant 0 : i32
      %broadcast_in_dim3A_142 = vector.broadcast %broadcast_in_dim3A_141 : i32 to vector<16xi32>
      %swap3A_143 = arith.index_cast %add3A_93 : i32 to index
      %swap3A_144 = arith.constant 112 : index
      %swap3A_145 = tpu.vector_load %arg10[%swap3A_143, %swap3A_144] {strides = array<i32>} : memref<256x128xi32, #tpu.memory_space<vmem>>, vector<1x16xi32>,
      %swap3A_146 = vector.shape_cast %swap3A_145 : vector<1x16xi32> to vector<16xi32>
      %swap3A_147 = vector.shape_cast %broadcast_in_dim3A_142 : vector<16xi32> to vector<1x16xi32>
      tpu.vector_store %arg10[%swap3A_143, %swap3A_144], %swap3A_147 {strides = array<i32>} : memref<256x128xi32, #tpu.memory_space<vmem>>, vector<1x16xi32>,
    }
    %scan3A_4 = arith.constant 256 : i32
    %run_scoped3A = arith.constant 0 : i32
    "tpu.region"() ({
      %run_scoped3A_89 = tpu.sem_alloc : memref<!tpu.dma_semaphore, #tpu.memory_space<semaphore_mem>>
      %dma_start3A_90 = arith.constant 0 : i32
      %dma_start3A_91 = arith.constant 0 : i32
      %dma_start3A_92 = tpu.memref_slice %arg4[%run_scoped3A, %add3A, %dma_start3A_90, %dma_start3A_91] : memref<3x32x80x128xi32, #tpu.memory_space<hbm>> -> memref<1x1x80x128xi32, #tpu.memory_space<hbm>>
      %dma_start3A_93 = tpu.memref_squeeze %dma_start3A_92 : memref<1x1x80x128xi32, #tpu.memory_space<hbm>> -> memref<80x128xi32, #tpu.memory_space<hbm>>
      %dma_start3A_94 = arith.constant 0 : i32
      %dma_start3A_95 = arith.constant 0 : i32
      %dma_start3A_96 = tpu.memref_slice %arg4[%run_scoped3A, %add3A, %dma_start3A_94, %dma_start3A_95] : memref<3x32x80x128xi32, #tpu.memory_space<hbm>> -> memref<1x1x80x128xi32, #tpu.memory_space<hbm>>
      %dma_start3A_97 = tpu.memref_squeeze %dma_start3A_96 : memref<1x1x80x128xi32, #tpu.memory_space<hbm>> -> memref<80x128xi32, #tpu.memory_space<hbm>>
      tpu.enqueue_dma source(%dma_start3A_97 : memref<80x128xi32, #tpu.memory_space<hbm>>) target(%arg7 : memref<80x128xi32, #tpu.memory_space<vmem>>) target_semaphore(%run_scoped3A_89 : memref<!tpu.dma_semaphore, #tpu.memory_space<semaphore_mem>>)
      %dma_wait3A = arith.constant 0 : i32
      %dma_wait3A_98 = arith.constant 0 : i32
      %dma_wait3A_99 = tpu.memref_slice %arg4[%run_scoped3A, %add3A, %dma_wait3A, %dma_wait3A_98] : memref<3x32x80x128xi32, #tpu.memory_space<hbm>> -> memref<1x1x80x128xi32, #tpu.memory_space<hbm>>
      %dma_wait3A_100 = tpu.memref_squeeze %dma_wait3A_99 : memref<1x1x80x128xi32, #tpu.memory_space<hbm>> -> memref<80x128xi32, #tpu.memory_space<hbm>>
      %dma_wait3A_101 = arith.constant 0 : i32
      %dma_wait3A_102 = arith.constant 0 : i32
      %dma_wait3A_103 = tpu.memref_slice %arg4[%run_scoped3A, %add3A, %dma_wait3A_101, %dma_wait3A_102] : memref<3x32x80x128xi32, #tpu.memory_space<hbm>> -> memref<1x1x80x128xi32, #tpu.memory_space<hbm>>
      %dma_wait3A_104 = tpu.memref_squeeze %dma_wait3A_103 : memref<1x1x80x128xi32, #tpu.memory_space<hbm>> -> memref<80x128xi32, #tpu.memory_space<hbm>>
      tpu.wait_dma2 semaphore(%run_scoped3A_89 : memref<!tpu.dma_semaphore, #tpu.memory_space<semaphore_mem>>) src(%dma_wait3A_104 : memref<80x128xi32, #tpu.memory_space<hbm>>) dst(%arg7 : memref<80x128xi32, #tpu.memory_space<vmem>>)
      tpu.yield
    }) : () -> ()
    %mul3A_5 = arith.constant 256 : i32
    %mul3A_6 = arith.muli %arg1, %mul3A_5 : i32
    "tpu.region"() ({
      %run_scoped3A_89 = tpu.sem_alloc : memref<!tpu.dma_semaphore, #tpu.memory_space<semaphore_mem>>
      %dma_start3A_90 = arith.constant 0 : i32
      %dma_start3A_91 = tpu.memref_slice %arg11[%mul3A_6, %dma_start3A_90] : memref<4096x128xi32, #tpu.memory_space<vmem_shared>> -> memref<256x128xi32, #tpu.memory_space<vmem_shared>>
      %dma_start3A_92 = arith.constant 0 : i32
      %dma_start3A_93 = tpu.memref_slice %arg11[%mul3A_6, %dma_start3A_92] : memref<4096x128xi32, #tpu.memory_space<vmem_shared>> -> memref<256x128xi32, #tpu.memory_space<vmem_shared>>
      tpu.enqueue_dma source(%arg10 : memref<256x128xi32, #tpu.memory_space<vmem>>) target(%dma_start3A_93 : memref<256x128xi32, #tpu.memory_space<vmem_shared>>) target_semaphore(%run_scoped3A_89 : memref<!tpu.dma_semaphore, #tpu.memory_space<semaphore_mem>>)
      %dma_wait3A = arith.constant 0 : i32
      %dma_wait3A_94 = tpu.memref_slice %arg11[%mul3A_6, %dma_wait3A] : memref<4096x128xi32, #tpu.memory_space<vmem_shared>> -> memref<256x128xi32, #tpu.memory_space<vmem_shared>>
      %dma_wait3A_95 = arith.constant 0 : i32
      %dma_wait3A_96 = tpu.memref_slice %arg11[%mul3A_6, %dma_wait3A_95] : memref<4096x128xi32, #tpu.memory_space<vmem_shared>> -> memref<256x128xi32, #tpu.memory_space<vmem_shared>>
      tpu.wait_dma2 semaphore(%run_scoped3A_89 : memref<!tpu.dma_semaphore, #tpu.memory_space<semaphore_mem>>) src(%arg10 : memref<256x128xi32, #tpu.memory_space<vmem>>) dst(%dma_wait3A_96 : memref<256x128xi32, #tpu.memory_space<vmem_shared>>)
      tpu.yield
    }) : () -> ()
    %barrier3A = arith.constant 0 : index
    tpu.barrier barrier_id(%barrier3A)
    %dma_start3A = arith.constant 0 : i32
    %dma_start3A_7 = arith.constant 0 : i32
    %dma_start3A_8 = tpu.memref_slice %arg6[%dma_start3A, %dma_start3A_7] : memref<80x128xi32, #tpu.memory_space<vmem>> -> memref<1x128xi32, #tpu.memory_space<vmem>>
    %dma_start3A_9 = tpu.memref_squeeze %dma_start3A_8 : memref<1x128xi32, #tpu.memory_space<vmem>> -> memref<128xi32, #tpu.memory_space<vmem>>
    %dma_start3A_10 = arith.constant 0 : i32
    %dma_start3A_11 = arith.constant 0 : i32
    %dma_start3A_12 = tpu.memref_slice %arg2[%dma_start3A_10, %dma_start3A_11] : memref<10000x128xi32, #tpu.memory_space<hbm>> -> memref<10000x128xi32, #tpu.memory_space<hbm>>
    tpu.enqueue_indirect_dma source(%dma_start3A_12 : memref<10000x128xi32, #tpu.memory_space<hbm>>) target(%arg8 : memref<128x128xi32, #tpu.memory_space<vmem>>) offsets(%dma_start3A_9 : memref<128xi32, #tpu.memory_space<vmem>>) semaphore(%arg12 : memref<!tpu.dma_semaphore, #tpu.memory_space<semaphore_mem>>)
    %dma_start3A_13 = arith.constant 1 : i32
    %dma_start3A_14 = arith.constant 0 : i32
    %dma_start3A_15 = tpu.memref_slice %arg6[%dma_start3A_13, %dma_start3A_14] : memref<80x128xi32, #tpu.memory_space<vmem>> -> memref<1x128xi32, #tpu.memory_space<vmem>>
    %dma_start3A_16 = tpu.memref_squeeze %dma_start3A_15 : memref<1x128xi32, #tpu.memory_space<vmem>> -> memref<128xi32, #tpu.memory_space<vmem>>
    %dma_start3A_17 = arith.constant 0 : i32
    %dma_start3A_18 = arith.constant 0 : i32
    %dma_start3A_19 = tpu.memref_slice %arg2[%dma_start3A_17, %dma_start3A_18] : memref<10000x128xi32, #tpu.memory_space<hbm>> -> memref<10000x128xi32, #tpu.memory_space<hbm>>
    tpu.enqueue_indirect_dma source(%dma_start3A_19 : memref<10000x128xi32, #tpu.memory_space<hbm>>) target(%arg9 : memref<128x128xi32, #tpu.memory_space<vmem>>) offsets(%dma_start3A_16 : memref<128xi32, #tpu.memory_space<vmem>>) semaphore(%arg13 : memref<!tpu.dma_semaphore, #tpu.memory_space<semaphore_mem>>)
    %scan3A_20 = arith.constant 0 : i32
    %scan3A_21 = arith.constant 40 : i32
    %scan3A_22 = arith.addi %scan3A_20, %scan3A_21 : i32
    %scan3A_23 = arith.constant 1 : i32
    scf.for %scan3A_89 = %scan3A_20 to %scan3A_22 step %scan3A_23  : i32 {
      %mul3A_90 = arith.constant 2 : i32
      %mul3A_91 = arith.muli %scan3A_89, %mul3A_90 : i32
      %add3A_92 = arith.constant 0 : i32
      %add3A_93 = arith.addi %add3A_92, %mul3A_91 : i32
      %dma_wait3A = arith.constant 0 : i32
      %dma_wait3A_94 = tpu.memref_slice %arg6[%add3A_93, %dma_wait3A] : memref<80x128xi32, #tpu.memory_space<vmem>> -> memref<1x128xi32, #tpu.memory_space<vmem>>
      %dma_wait3A_95 = tpu.memref_squeeze %dma_wait3A_94 : memref<1x128xi32, #tpu.memory_space<vmem>> -> memref<128xi32, #tpu.memory_space<vmem>>
      %dma_wait3A_96 = arith.constant 0 : i32
      %dma_wait3A_97 = arith.constant 0 : i32
      %dma_wait3A_98 = tpu.memref_slice %arg2[%dma_wait3A_96, %dma_wait3A_97] : memref<10000x128xi32, #tpu.memory_space<hbm>> -> memref<10000x128xi32, #tpu.memory_space<hbm>>
      tpu.wait_indirect_dma semaphore(%arg12 : memref<!tpu.dma_semaphore, #tpu.memory_space<semaphore_mem>>) src(%dma_wait3A_98 : memref<10000x128xi32, #tpu.memory_space<hbm>>) dst(%arg8 : memref<128x128xi32, #tpu.memory_space<vmem>>)
      "tpu.region"() ({
        %run_scoped3A_120 = tpu.sem_alloc : memref<!tpu.dma_semaphore, #tpu.memory_space<semaphore_mem>>
        %dma_start3A_121 = arith.constant 0 : i32
        %dma_start3A_122 = tpu.memref_slice %arg7[%add3A_93, %dma_start3A_121] : memref<80x128xi32, #tpu.memory_space<vmem>> -> memref<1x128xi32, #tpu.memory_space<vmem>>
        %dma_start3A_123 = tpu.memref_squeeze %dma_start3A_122 : memref<1x128xi32, #tpu.memory_space<vmem>> -> memref<128xi32, #tpu.memory_space<vmem>>
        %dma_start3A_124 = arith.constant 0 : i32
        %dma_start3A_125 = arith.constant 0 : i32
        %dma_start3A_126 = tpu.memref_slice %arg11[%dma_start3A_124, %dma_start3A_125] : memref<4096x128xi32, #tpu.memory_space<vmem_shared>> -> memref<4096x128xi32, #tpu.memory_space<vmem_shared>>
        tpu.enqueue_indirect_dma source(%arg8 : memref<128x128xi32, #tpu.memory_space<vmem>>) target(%dma_start3A_126 : memref<4096x128xi32, #tpu.memory_space<vmem_shared>>) offsets(%dma_start3A_123 : memref<128xi32, #tpu.memory_space<vmem>>) semaphore(%run_scoped3A_120 : memref<!tpu.dma_semaphore, #tpu.memory_space<semaphore_mem>>) {add = true}
        %dma_wait3A_127 = arith.constant 0 : i32
        %dma_wait3A_128 = tpu.memref_slice %arg7[%add3A_93, %dma_wait3A_127] : memref<80x128xi32, #tpu.memory_space<vmem>> -> memref<1x128xi32, #tpu.memory_space<vmem>>
        %dma_wait3A_129 = tpu.memref_squeeze %dma_wait3A_128 : memref<1x128xi32, #tpu.memory_space<vmem>> -> memref<128xi32, #tpu.memory_space<vmem>>
        %dma_wait3A_130 = arith.constant 0 : i32
        %dma_wait3A_131 = arith.constant 0 : i32
        %dma_wait3A_132 = tpu.memref_slice %arg11[%dma_wait3A_130, %dma_wait3A_131] : memref<4096x128xi32, #tpu.memory_space<vmem_shared>> -> memref<4096x128xi32, #tpu.memory_space<vmem_shared>>
        tpu.wait_indirect_dma semaphore(%run_scoped3A_120 : memref<!tpu.dma_semaphore, #tpu.memory_space<semaphore_mem>>) src(%arg8 : memref<128x128xi32, #tpu.memory_space<vmem>>) dst(%dma_wait3A_132 : memref<4096x128xi32, #tpu.memory_space<vmem_shared>>)
        tpu.yield
      }) : () -> ()
      %add3A_99 = arith.constant 2 : i32
      %add3A_100 = arith.addi %add3A_93, %add3A_99 : i32
      %lt3A = arith.constant 80 : i32
      %lt3A_101 = arith.cmpi slt, %add3A_100, %lt3A : i32
      %convert_element_type3A = arith.extui %lt3A_101 : i1 to i32
      %cond3A = arith.constant 0 : i32
      %cond3A_102 = arith.cmpi ne, %convert_element_type3A, %cond3A : i32
      scf.if %cond3A_102 {
        %add3A_120 = arith.constant 2 : i32
        %add3A_121 = arith.addi %add3A_93, %add3A_120 : i32
        %dma_start3A_122 = arith.constant 0 : i32
        %dma_start3A_123 = tpu.memref_slice %arg6[%add3A_121, %dma_start3A_122] : memref<80x128xi32, #tpu.memory_space<vmem>> -> memref<1x128xi32, #tpu.memory_space<vmem>>
        %dma_start3A_124 = tpu.memref_squeeze %dma_start3A_123 : memref<1x128xi32, #tpu.memory_space<vmem>> -> memref<128xi32, #tpu.memory_space<vmem>>
        %dma_start3A_125 = arith.constant 0 : i32
        %dma_start3A_126 = arith.constant 0 : i32
        %dma_start3A_127 = tpu.memref_slice %arg2[%dma_start3A_125, %dma_start3A_126] : memref<10000x128xi32, #tpu.memory_space<hbm>> -> memref<10000x128xi32, #tpu.memory_space<hbm>>
        tpu.enqueue_indirect_dma source(%dma_start3A_127 : memref<10000x128xi32, #tpu.memory_space<hbm>>) target(%arg8 : memref<128x128xi32, #tpu.memory_space<vmem>>) offsets(%dma_start3A_124 : memref<128xi32, #tpu.memory_space<vmem>>) semaphore(%arg12 : memref<!tpu.dma_semaphore, #tpu.memory_space<semaphore_mem>>)
      } else {
      }
      %add3A_103 = arith.constant 1 : i32
      %add3A_104 = arith.addi %add3A_93, %add3A_103 : i32
      %dma_wait3A_105 = arith.constant 0 : i32
      %dma_wait3A_106 = tpu.memref_slice %arg6[%add3A_104, %dma_wait3A_105] : memref<80x128xi32, #tpu.memory_space<vmem>> -> memref<1x128xi32, #tpu.memory_space<vmem>>
      %dma_wait3A_107 = tpu.memref_squeeze %dma_wait3A_106 : memref<1x128xi32, #tpu.memory_space<vmem>> -> memref<128xi32, #tpu.memory_space<vmem>>
      %dma_wait3A_108 = arith.constant 0 : i32
      %dma_wait3A_109 = arith.constant 0 : i32
      %dma_wait3A_110 = tpu.memref_slice %arg2[%dma_wait3A_108, %dma_wait3A_109] : memref<10000x128xi32, #tpu.memory_space<hbm>> -> memref<10000x128xi32, #tpu.memory_space<hbm>>
      tpu.wait_indirect_dma semaphore(%arg13 : memref<!tpu.dma_semaphore, #tpu.memory_space<semaphore_mem>>) src(%dma_wait3A_110 : memref<10000x128xi32, #tpu.memory_space<hbm>>) dst(%arg9 : memref<128x128xi32, #tpu.memory_space<vmem>>)
      %add3A_111 = arith.constant 1 : i32
      %add3A_112 = arith.addi %add3A_93, %add3A_111 : i32
      "tpu.region"() ({
        %run_scoped3A_120 = tpu.sem_alloc : memref<!tpu.dma_semaphore, #tpu.memory_space<semaphore_mem>>
        %dma_start3A_121 = arith.constant 0 : i32
        %dma_start3A_122 = tpu.memref_slice %arg7[%add3A_112, %dma_start3A_121] : memref<80x128xi32, #tpu.memory_space<vmem>> -> memref<1x128xi32, #tpu.memory_space<vmem>>
        %dma_start3A_123 = tpu.memref_squeeze %dma_start3A_122 : memref<1x128xi32, #tpu.memory_space<vmem>> -> memref<128xi32, #tpu.memory_space<vmem>>
        %dma_start3A_124 = arith.constant 0 : i32
        %dma_start3A_125 = arith.constant 0 : i32
        %dma_start3A_126 = tpu.memref_slice %arg11[%dma_start3A_124, %dma_start3A_125] : memref<4096x128xi32, #tpu.memory_space<vmem_shared>> -> memref<4096x128xi32, #tpu.memory_space<vmem_shared>>
        tpu.enqueue_indirect_dma source(%arg9 : memref<128x128xi32, #tpu.memory_space<vmem>>) target(%dma_start3A_126 : memref<4096x128xi32, #tpu.memory_space<vmem_shared>>) offsets(%dma_start3A_123 : memref<128xi32, #tpu.memory_space<vmem>>) semaphore(%run_scoped3A_120 : memref<!tpu.dma_semaphore, #tpu.memory_space<semaphore_mem>>) {add = true}
        %dma_wait3A_127 = arith.constant 0 : i32
        %dma_wait3A_128 = tpu.memref_slice %arg7[%add3A_112, %dma_wait3A_127] : memref<80x128xi32, #tpu.memory_space<vmem>> -> memref<1x128xi32, #tpu.memory_space<vmem>>
        %dma_wait3A_129 = tpu.memref_squeeze %dma_wait3A_128 : memref<1x128xi32, #tpu.memory_space<vmem>> -> memref<128xi32, #tpu.memory_space<vmem>>
        %dma_wait3A_130 = arith.constant 0 : i32
        %dma_wait3A_131 = arith.constant 0 : i32
        %dma_wait3A_132 = tpu.memref_slice %arg11[%dma_wait3A_130, %dma_wait3A_131] : memref<4096x128xi32, #tpu.memory_space<vmem_shared>> -> memref<4096x128xi32, #tpu.memory_space<vmem_shared>>
        tpu.wait_indirect_dma semaphore(%run_scoped3A_120 : memref<!tpu.dma_semaphore, #tpu.memory_space<semaphore_mem>>) src(%arg9 : memref<128x128xi32, #tpu.memory_space<vmem>>) dst(%dma_wait3A_132 : memref<4096x128xi32, #tpu.memory_space<vmem_shared>>)
        tpu.yield
      }) : () -> ()
      %add3A_113 = arith.constant 3 : i32
      %add3A_114 = arith.addi %add3A_93, %add3A_113 : i32
      %lt3A_115 = arith.constant 80 : i32
      %lt3A_116 = arith.cmpi slt, %add3A_114, %lt3A_115 : i32
      %convert_element_type3A_117 = arith.extui %lt3A_116 : i1 to i32
      %cond3A_118 = arith.constant 0 : i32
      %cond3A_119 = arith.cmpi ne, %convert_element_type3A_117, %cond3A_118 : i32
      scf.if %cond3A_119 {
        %add3A_120 = arith.constant 3 : i32
        %add3A_121 = arith.addi %add3A_93, %add3A_120 : i32
        %dma_start3A_122 = arith.constant 0 : i32
        %dma_start3A_123 = tpu.memref_slice %arg6[%add3A_121, %dma_start3A_122] : memref<80x128xi32, #tpu.memory_space<vmem>> -> memref<1x128xi32, #tpu.memory_space<vmem>>
        %dma_start3A_124 = tpu.memref_squeeze %dma_start3A_123 : memref<1x128xi32, #tpu.memory_space<vmem>> -> memref<128xi32, #tpu.memory_space<vmem>>
        %dma_start3A_125 = arith.constant 0 : i32
        %dma_start3A_126 = arith.constant 0 : i32
        %dma_start3A_127 = tpu.memref_slice %arg2[%dma_start3A_125, %dma_start3A_126] : memref<10000x128xi32, #tpu.memory_space<hbm>> -> memref<10000x128xi32, #tpu.memory_space<hbm>>
        tpu.enqueue_indirect_dma source(%dma_start3A_127 : memref<10000x128xi32, #tpu.memory_space<hbm>>) target(%arg9 : memref<128x128xi32, #tpu.memory_space<vmem>>) offsets(%dma_start3A_124 : memref<128xi32, #tpu.memory_space<vmem>>) semaphore(%arg13 : memref<!tpu.dma_semaphore, #tpu.memory_space<semaphore_mem>>)
      } else {
      }
    }
    %scan3A_24 = arith.constant 40 : i32
    %barrier3A_25 = arith.constant 0 : index
    tpu.barrier barrier_id(%barrier3A_25)
    %mul3A_26 = arith.constant 256 : i32
    %mul3A_27 = arith.muli %arg1, %mul3A_26 : i32
    %mul3A_28 = arith.constant 256 : i32
    %mul3A_29 = arith.muli %arg1, %mul3A_28 : i32
    %run_scoped3A_30 = arith.constant 0 : i32
    "tpu.region"() ({
      %run_scoped3A_89 = tpu.sem_alloc : memref<!tpu.dma_semaphore, #tpu.memory_space<semaphore_mem>>
      %dma_start3A_90 = arith.constant 0 : i32
      %dma_start3A_91 = tpu.memref_slice %arg5[%arg0, %run_scoped3A_30, %mul3A_29, %dma_start3A_90] : memref<2x3x4096x128xi32, #tpu.memory_space<hbm>> -> memref<1x1x256x128xi32, #tpu.memory_space<hbm>>
      %dma_start3A_92 = tpu.memref_squeeze %dma_start3A_91 : memref<1x1x256x128xi32, #tpu.memory_space<hbm>> -> memref<256x128xi32, #tpu.memory_space<hbm>>
      %dma_start3A_93 = arith.constant 0 : i32
      %dma_start3A_94 = tpu.memref_slice %arg11[%mul3A_27, %dma_start3A_93] : memref<4096x128xi32, #tpu.memory_space<vmem_shared>> -> memref<256x128xi32, #tpu.memory_space<vmem_shared>>
      tpu.enqueue_dma source(%dma_start3A_94 : memref<256x128xi32, #tpu.memory_space<vmem_shared>>) target(%dma_start3A_92 : memref<256x128xi32, #tpu.memory_space<hbm>>) target_semaphore(%run_scoped3A_89 : memref<!tpu.dma_semaphore, #tpu.memory_space<semaphore_mem>>)
      %dma_wait3A = arith.constant 0 : i32
      %dma_wait3A_95 = tpu.memref_slice %arg5[%arg0, %run_scoped3A_30, %mul3A_29, %dma_wait3A] : memref<2x3x4096x128xi32, #tpu.memory_space<hbm>> -> memref<1x1x256x128xi32, #tpu.memory_space<hbm>>
      %dma_wait3A_96 = tpu.memref_squeeze %dma_wait3A_95 : memref<1x1x256x128xi32, #tpu.memory_space<hbm>> -> memref<256x128xi32, #tpu.memory_space<hbm>>
      %dma_wait3A_97 = arith.constant 0 : i32
      %dma_wait3A_98 = tpu.memref_slice %arg11[%mul3A_27, %dma_wait3A_97] : memref<4096x128xi32, #tpu.memory_space<vmem_shared>> -> memref<256x128xi32, #tpu.memory_space<vmem_shared>>
      tpu.wait_dma2 semaphore(%run_scoped3A_89 : memref<!tpu.dma_semaphore, #tpu.memory_space<semaphore_mem>>) src(%dma_wait3A_98 : memref<256x128xi32, #tpu.memory_space<vmem_shared>>) dst(%dma_wait3A_96 : memref<256x128xi32, #tpu.memory_space<hbm>>)
      tpu.yield
    }) : () -> ()
    %run_scoped3A_31 = arith.constant 1 : i32
    "tpu.region"() ({
      %run_scoped3A_89 = tpu.sem_alloc : memref<!tpu.dma_semaphore, #tpu.memory_space<semaphore_mem>>
      %dma_start3A_90 = arith.constant 0 : i32
      %dma_start3A_91 = arith.constant 0 : i32
      %dma_start3A_92 = tpu.memref_slice %arg4[%run_scoped3A_31, %add3A, %dma_start3A_90, %dma_start3A_91] : memref<3x32x80x128xi32, #tpu.memory_space<hbm>> -> memref<1x1x80x128xi32, #tpu.memory_space<hbm>>
      %dma_start3A_93 = tpu.memref_squeeze %dma_start3A_92 : memref<1x1x80x128xi32, #tpu.memory_space<hbm>> -> memref<80x128xi32, #tpu.memory_space<hbm>>
      %dma_start3A_94 = arith.constant 0 : i32
      %dma_start3A_95 = arith.constant 0 : i32
      %dma_start3A_96 = tpu.memref_slice %arg4[%run_scoped3A_31, %add3A, %dma_start3A_94, %dma_start3A_95] : memref<3x32x80x128xi32, #tpu.memory_space<hbm>> -> memref<1x1x80x128xi32, #tpu.memory_space<hbm>>
      %dma_start3A_97 = tpu.memref_squeeze %dma_start3A_96 : memref<1x1x80x128xi32, #tpu.memory_space<hbm>> -> memref<80x128xi32, #tpu.memory_space<hbm>>
      tpu.enqueue_dma source(%dma_start3A_97 : memref<80x128xi32, #tpu.memory_space<hbm>>) target(%arg7 : memref<80x128xi32, #tpu.memory_space<vmem>>) target_semaphore(%run_scoped3A_89 : memref<!tpu.dma_semaphore, #tpu.memory_space<semaphore_mem>>)
      %dma_wait3A = arith.constant 0 : i32
      %dma_wait3A_98 = arith.constant 0 : i32
      %dma_wait3A_99 = tpu.memref_slice %arg4[%run_scoped3A_31, %add3A, %dma_wait3A, %dma_wait3A_98] : memref<3x32x80x128xi32, #tpu.memory_space<hbm>> -> memref<1x1x80x128xi32, #tpu.memory_space<hbm>>
      %dma_wait3A_100 = tpu.memref_squeeze %dma_wait3A_99 : memref<1x1x80x128xi32, #tpu.memory_space<hbm>> -> memref<80x128xi32, #tpu.memory_space<hbm>>
      %dma_wait3A_101 = arith.constant 0 : i32
      %dma_wait3A_102 = arith.constant 0 : i32
      %dma_wait3A_103 = tpu.memref_slice %arg4[%run_scoped3A_31, %add3A, %dma_wait3A_101, %dma_wait3A_102] : memref<3x32x80x128xi32, #tpu.memory_space<hbm>> -> memref<1x1x80x128xi32, #tpu.memory_space<hbm>>
      %dma_wait3A_104 = tpu.memref_squeeze %dma_wait3A_103 : memref<1x1x80x128xi32, #tpu.memory_space<hbm>> -> memref<80x128xi32, #tpu.memory_space<hbm>>
      tpu.wait_dma2 semaphore(%run_scoped3A_89 : memref<!tpu.dma_semaphore, #tpu.memory_space<semaphore_mem>>) src(%dma_wait3A_104 : memref<80x128xi32, #tpu.memory_space<hbm>>) dst(%arg7 : memref<80x128xi32, #tpu.memory_space<vmem>>)
      tpu.yield
    }) : () -> ()
    %mul3A_32 = arith.constant 256 : i32
    %mul3A_33 = arith.muli %arg1, %mul3A_32 : i32
    "tpu.region"() ({
      %run_scoped3A_89 = tpu.sem_alloc : memref<!tpu.dma_semaphore, #tpu.memory_space<semaphore_mem>>
      %dma_start3A_90 = arith.constant 0 : i32
      %dma_start3A_91 = tpu.memref_slice %arg11[%mul3A_33, %dma_start3A_90] : memref<4096x128xi32, #tpu.memory_space<vmem_shared>> -> memref<256x128xi32, #tpu.memory_space<vmem_shared>>
      %dma_start3A_92 = arith.constant 0 : i32
      %dma_start3A_93 = tpu.memref_slice %arg11[%mul3A_33, %dma_start3A_92] : memref<4096x128xi32, #tpu.memory_space<vmem_shared>> -> memref<256x128xi32, #tpu.memory_space<vmem_shared>>
      tpu.enqueue_dma source(%arg10 : memref<256x128xi32, #tpu.memory_space<vmem>>) target(%dma_start3A_93 : memref<256x128xi32, #tpu.memory_space<vmem_shared>>) target_semaphore(%run_scoped3A_89 : memref<!tpu.dma_semaphore, #tpu.memory_space<semaphore_mem>>)
      %dma_wait3A = arith.constant 0 : i32
      %dma_wait3A_94 = tpu.memref_slice %arg11[%mul3A_33, %dma_wait3A] : memref<4096x128xi32, #tpu.memory_space<vmem_shared>> -> memref<256x128xi32, #tpu.memory_space<vmem_shared>>
      %dma_wait3A_95 = arith.constant 0 : i32
      %dma_wait3A_96 = tpu.memref_slice %arg11[%mul3A_33, %dma_wait3A_95] : memref<4096x128xi32, #tpu.memory_space<vmem_shared>> -> memref<256x128xi32, #tpu.memory_space<vmem_shared>>
      tpu.wait_dma2 semaphore(%run_scoped3A_89 : memref<!tpu.dma_semaphore, #tpu.memory_space<semaphore_mem>>) src(%arg10 : memref<256x128xi32, #tpu.memory_space<vmem>>) dst(%dma_wait3A_96 : memref<256x128xi32, #tpu.memory_space<vmem_shared>>)
      tpu.yield
    }) : () -> ()
    %barrier3A_34 = arith.constant 0 : index
    tpu.barrier barrier_id(%barrier3A_34)
    %dma_start3A_35 = arith.constant 0 : i32
    %dma_start3A_36 = arith.constant 0 : i32
    %dma_start3A_37 = tpu.memref_slice %arg6[%dma_start3A_35, %dma_start3A_36] : memref<80x128xi32, #tpu.memory_space<vmem>> -> memref<1x128xi32, #tpu.memory_space<vmem>>
    %dma_start3A_38 = tpu.memref_squeeze %dma_start3A_37 : memref<1x128xi32, #tpu.memory_space<vmem>> -> memref<128xi32, #tpu.memory_space<vmem>>
    %dma_start3A_39 = arith.constant 0 : i32
    %dma_start3A_40 = arith.constant 0 : i32
    %dma_start3A_41 = tpu.memref_slice %arg2[%dma_start3A_39, %dma_start3A_40] : memref<10000x128xi32, #tpu.memory_space<hbm>> -> memref<10000x128xi32, #tpu.memory_space<hbm>>
    tpu.enqueue_indirect_dma source(%dma_start3A_41 : memref<10000x128xi32, #tpu.memory_space<hbm>>) target(%arg8 : memref<128x128xi32, #tpu.memory_space<vmem>>) offsets(%dma_start3A_38 : memref<128xi32, #tpu.memory_space<vmem>>) semaphore(%arg12 : memref<!tpu.dma_semaphore, #tpu.memory_space<semaphore_mem>>)
    %dma_start3A_42 = arith.constant 1 : i32
    %dma_start3A_43 = arith.constant 0 : i32
    %dma_start3A_44 = tpu.memref_slice %arg6[%dma_start3A_42, %dma_start3A_43] : memref<80x128xi32, #tpu.memory_space<vmem>> -> memref<1x128xi32, #tpu.memory_space<vmem>>
    %dma_start3A_45 = tpu.memref_squeeze %dma_start3A_44 : memref<1x128xi32, #tpu.memory_space<vmem>> -> memref<128xi32, #tpu.memory_space<vmem>>
    %dma_start3A_46 = arith.constant 0 : i32
    %dma_start3A_47 = arith.constant 0 : i32
    %dma_start3A_48 = tpu.memref_slice %arg2[%dma_start3A_46, %dma_start3A_47] : memref<10000x128xi32, #tpu.memory_space<hbm>> -> memref<10000x128xi32, #tpu.memory_space<hbm>>
    tpu.enqueue_indirect_dma source(%dma_start3A_48 : memref<10000x128xi32, #tpu.memory_space<hbm>>) target(%arg9 : memref<128x128xi32, #tpu.memory_space<vmem>>) offsets(%dma_start3A_45 : memref<128xi32, #tpu.memory_space<vmem>>) semaphore(%arg13 : memref<!tpu.dma_semaphore, #tpu.memory_space<semaphore_mem>>)
    %scan3A_49 = arith.constant 0 : i32
    %scan3A_50 = arith.constant 40 : i32
    %scan3A_51 = arith.addi %scan3A_49, %scan3A_50 : i32
    %scan3A_52 = arith.constant 1 : i32
    scf.for %scan3A_89 = %scan3A_49 to %scan3A_51 step %scan3A_52  : i32 {
      %mul3A_90 = arith.constant 2 : i32
      %mul3A_91 = arith.muli %scan3A_89, %mul3A_90 : i32
      %add3A_92 = arith.constant 0 : i32
      %add3A_93 = arith.addi %add3A_92, %mul3A_91 : i32
      %dma_wait3A = arith.constant 0 : i32
      %dma_wait3A_94 = tpu.memref_slice %arg6[%add3A_93, %dma_wait3A] : memref<80x128xi32, #tpu.memory_space<vmem>> -> memref<1x128xi32, #tpu.memory_space<vmem>>
      %dma_wait3A_95 = tpu.memref_squeeze %dma_wait3A_94 : memref<1x128xi32, #tpu.memory_space<vmem>> -> memref<128xi32, #tpu.memory_space<vmem>>
      %dma_wait3A_96 = arith.constant 0 : i32
      %dma_wait3A_97 = arith.constant 0 : i32
      %dma_wait3A_98 = tpu.memref_slice %arg2[%dma_wait3A_96, %dma_wait3A_97] : memref<10000x128xi32, #tpu.memory_space<hbm>> -> memref<10000x128xi32, #tpu.memory_space<hbm>>
      tpu.wait_indirect_dma semaphore(%arg12 : memref<!tpu.dma_semaphore, #tpu.memory_space<semaphore_mem>>) src(%dma_wait3A_98 : memref<10000x128xi32, #tpu.memory_space<hbm>>) dst(%arg8 : memref<128x128xi32, #tpu.memory_space<vmem>>)
      "tpu.region"() ({
        %run_scoped3A_120 = tpu.sem_alloc : memref<!tpu.dma_semaphore, #tpu.memory_space<semaphore_mem>>
        %dma_start3A_121 = arith.constant 0 : i32
        %dma_start3A_122 = tpu.memref_slice %arg7[%add3A_93, %dma_start3A_121] : memref<80x128xi32, #tpu.memory_space<vmem>> -> memref<1x128xi32, #tpu.memory_space<vmem>>
        %dma_start3A_123 = tpu.memref_squeeze %dma_start3A_122 : memref<1x128xi32, #tpu.memory_space<vmem>> -> memref<128xi32, #tpu.memory_space<vmem>>
        %dma_start3A_124 = arith.constant 0 : i32
        %dma_start3A_125 = arith.constant 0 : i32
        %dma_start3A_126 = tpu.memref_slice %arg11[%dma_start3A_124, %dma_start3A_125] : memref<4096x128xi32, #tpu.memory_space<vmem_shared>> -> memref<4096x128xi32, #tpu.memory_space<vmem_shared>>
        tpu.enqueue_indirect_dma source(%arg8 : memref<128x128xi32, #tpu.memory_space<vmem>>) target(%dma_start3A_126 : memref<4096x128xi32, #tpu.memory_space<vmem_shared>>) offsets(%dma_start3A_123 : memref<128xi32, #tpu.memory_space<vmem>>) semaphore(%run_scoped3A_120 : memref<!tpu.dma_semaphore, #tpu.memory_space<semaphore_mem>>) {add = true}
        %dma_wait3A_127 = arith.constant 0 : i32
        %dma_wait3A_128 = tpu.memref_slice %arg7[%add3A_93, %dma_wait3A_127] : memref<80x128xi32, #tpu.memory_space<vmem>> -> memref<1x128xi32, #tpu.memory_space<vmem>>
        %dma_wait3A_129 = tpu.memref_squeeze %dma_wait3A_128 : memref<1x128xi32, #tpu.memory_space<vmem>> -> memref<128xi32, #tpu.memory_space<vmem>>
        %dma_wait3A_130 = arith.constant 0 : i32
        %dma_wait3A_131 = arith.constant 0 : i32
        %dma_wait3A_132 = tpu.memref_slice %arg11[%dma_wait3A_130, %dma_wait3A_131] : memref<4096x128xi32, #tpu.memory_space<vmem_shared>> -> memref<4096x128xi32, #tpu.memory_space<vmem_shared>>
        tpu.wait_indirect_dma semaphore(%run_scoped3A_120 : memref<!tpu.dma_semaphore, #tpu.memory_space<semaphore_mem>>) src(%arg8 : memref<128x128xi32, #tpu.memory_space<vmem>>) dst(%dma_wait3A_132 : memref<4096x128xi32, #tpu.memory_space<vmem_shared>>)
        tpu.yield
      }) : () -> ()
      %add3A_99 = arith.constant 2 : i32
      %add3A_100 = arith.addi %add3A_93, %add3A_99 : i32
      %lt3A = arith.constant 80 : i32
      %lt3A_101 = arith.cmpi slt, %add3A_100, %lt3A : i32
      %convert_element_type3A = arith.extui %lt3A_101 : i1 to i32
      %cond3A = arith.constant 0 : i32
      %cond3A_102 = arith.cmpi ne, %convert_element_type3A, %cond3A : i32
      scf.if %cond3A_102 {
        %add3A_120 = arith.constant 2 : i32
        %add3A_121 = arith.addi %add3A_93, %add3A_120 : i32
        %dma_start3A_122 = arith.constant 0 : i32
        %dma_start3A_123 = tpu.memref_slice %arg6[%add3A_121, %dma_start3A_122] : memref<80x128xi32, #tpu.memory_space<vmem>> -> memref<1x128xi32, #tpu.memory_space<vmem>>
        %dma_start3A_124 = tpu.memref_squeeze %dma_start3A_123 : memref<1x128xi32, #tpu.memory_space<vmem>> -> memref<128xi32, #tpu.memory_space<vmem>>
        %dma_start3A_125 = arith.constant 0 : i32
        %dma_start3A_126 = arith.constant 0 : i32
        %dma_start3A_127 = tpu.memref_slice %arg2[%dma_start3A_125, %dma_start3A_126] : memref<10000x128xi32, #tpu.memory_space<hbm>> -> memref<10000x128xi32, #tpu.memory_space<hbm>>
        tpu.enqueue_indirect_dma source(%dma_start3A_127 : memref<10000x128xi32, #tpu.memory_space<hbm>>) target(%arg8 : memref<128x128xi32, #tpu.memory_space<vmem>>) offsets(%dma_start3A_124 : memref<128xi32, #tpu.memory_space<vmem>>) semaphore(%arg12 : memref<!tpu.dma_semaphore, #tpu.memory_space<semaphore_mem>>)
      } else {
      }
      %add3A_103 = arith.constant 1 : i32
      %add3A_104 = arith.addi %add3A_93, %add3A_103 : i32
      %dma_wait3A_105 = arith.constant 0 : i32
      %dma_wait3A_106 = tpu.memref_slice %arg6[%add3A_104, %dma_wait3A_105] : memref<80x128xi32, #tpu.memory_space<vmem>> -> memref<1x128xi32, #tpu.memory_space<vmem>>
      %dma_wait3A_107 = tpu.memref_squeeze %dma_wait3A_106 : memref<1x128xi32, #tpu.memory_space<vmem>> -> memref<128xi32, #tpu.memory_space<vmem>>
      %dma_wait3A_108 = arith.constant 0 : i32
      %dma_wait3A_109 = arith.constant 0 : i32
      %dma_wait3A_110 = tpu.memref_slice %arg2[%dma_wait3A_108, %dma_wait3A_109] : memref<10000x128xi32, #tpu.memory_space<hbm>> -> memref<10000x128xi32, #tpu.memory_space<hbm>>
      tpu.wait_indirect_dma semaphore(%arg13 : memref<!tpu.dma_semaphore, #tpu.memory_space<semaphore_mem>>) src(%dma_wait3A_110 : memref<10000x128xi32, #tpu.memory_space<hbm>>) dst(%arg9 : memref<128x128xi32, #tpu.memory_space<vmem>>)
      %add3A_111 = arith.constant 1 : i32
      %add3A_112 = arith.addi %add3A_93, %add3A_111 : i32
      "tpu.region"() ({
        %run_scoped3A_120 = tpu.sem_alloc : memref<!tpu.dma_semaphore, #tpu.memory_space<semaphore_mem>>
        %dma_start3A_121 = arith.constant 0 : i32
        %dma_start3A_122 = tpu.memref_slice %arg7[%add3A_112, %dma_start3A_121] : memref<80x128xi32, #tpu.memory_space<vmem>> -> memref<1x128xi32, #tpu.memory_space<vmem>>
        %dma_start3A_123 = tpu.memref_squeeze %dma_start3A_122 : memref<1x128xi32, #tpu.memory_space<vmem>> -> memref<128xi32, #tpu.memory_space<vmem>>
        %dma_start3A_124 = arith.constant 0 : i32
        %dma_start3A_125 = arith.constant 0 : i32
        %dma_start3A_126 = tpu.memref_slice %arg11[%dma_start3A_124, %dma_start3A_125] : memref<4096x128xi32, #tpu.memory_space<vmem_shared>> -> memref<4096x128xi32, #tpu.memory_space<vmem_shared>>
        tpu.enqueue_indirect_dma source(%arg9 : memref<128x128xi32, #tpu.memory_space<vmem>>) target(%dma_start3A_126 : memref<4096x128xi32, #tpu.memory_space<vmem_shared>>) offsets(%dma_start3A_123 : memref<128xi32, #tpu.memory_space<vmem>>) semaphore(%run_scoped3A_120 : memref<!tpu.dma_semaphore, #tpu.memory_space<semaphore_mem>>) {add = true}
        %dma_wait3A_127 = arith.constant 0 : i32
        %dma_wait3A_128 = tpu.memref_slice %arg7[%add3A_112, %dma_wait3A_127] : memref<80x128xi32, #tpu.memory_space<vmem>> -> memref<1x128xi32, #tpu.memory_space<vmem>>
        %dma_wait3A_129 = tpu.memref_squeeze %dma_wait3A_128 : memref<1x128xi32, #tpu.memory_space<vmem>> -> memref<128xi32, #tpu.memory_space<vmem>>
        %dma_wait3A_130 = arith.constant 0 : i32
        %dma_wait3A_131 = arith.constant 0 : i32
        %dma_wait3A_132 = tpu.memref_slice %arg11[%dma_wait3A_130, %dma_wait3A_131] : memref<4096x128xi32, #tpu.memory_space<vmem_shared>> -> memref<4096x128xi32, #tpu.memory_space<vmem_shared>>
        tpu.wait_indirect_dma semaphore(%run_scoped3A_120 : memref<!tpu.dma_semaphore, #tpu.memory_space<semaphore_mem>>) src(%arg9 : memref<128x128xi32, #tpu.memory_space<vmem>>) dst(%dma_wait3A_132 : memref<4096x128xi32, #tpu.memory_space<vmem_shared>>)
        tpu.yield
      }) : () -> ()
      %add3A_113 = arith.constant 3 : i32
      %add3A_114 = arith.addi %add3A_93, %add3A_113 : i32
      %lt3A_115 = arith.constant 80 : i32
      %lt3A_116 = arith.cmpi slt, %add3A_114, %lt3A_115 : i32
      %convert_element_type3A_117 = arith.extui %lt3A_116 : i1 to i32
      %cond3A_118 = arith.constant 0 : i32
      %cond3A_119 = arith.cmpi ne, %convert_element_type3A_117, %cond3A_118 : i32
      scf.if %cond3A_119 {
        %add3A_120 = arith.constant 3 : i32
        %add3A_121 = arith.addi %add3A_93, %add3A_120 : i32
        %dma_start3A_122 = arith.constant 0 : i32
        %dma_start3A_123 = tpu.memref_slice %arg6[%add3A_121, %dma_start3A_122] : memref<80x128xi32, #tpu.memory_space<vmem>> -> memref<1x128xi32, #tpu.memory_space<vmem>>
        %dma_start3A_124 = tpu.memref_squeeze %dma_start3A_123 : memref<1x128xi32, #tpu.memory_space<vmem>> -> memref<128xi32, #tpu.memory_space<vmem>>
        %dma_start3A_125 = arith.constant 0 : i32
        %dma_start3A_126 = arith.constant 0 : i32
        %dma_start3A_127 = tpu.memref_slice %arg2[%dma_start3A_125, %dma_start3A_126] : memref<10000x128xi32, #tpu.memory_space<hbm>> -> memref<10000x128xi32, #tpu.memory_space<hbm>>
        tpu.enqueue_indirect_dma source(%dma_start3A_127 : memref<10000x128xi32, #tpu.memory_space<hbm>>) target(%arg9 : memref<128x128xi32, #tpu.memory_space<vmem>>) offsets(%dma_start3A_124 : memref<128xi32, #tpu.memory_space<vmem>>) semaphore(%arg13 : memref<!tpu.dma_semaphore, #tpu.memory_space<semaphore_mem>>)
      } else {
      }
    }
    %scan3A_53 = arith.constant 40 : i32
    %barrier3A_54 = arith.constant 0 : index
    tpu.barrier barrier_id(%barrier3A_54)
    %mul3A_55 = arith.constant 256 : i32
    %mul3A_56 = arith.muli %arg1, %mul3A_55 : i32
    %mul3A_57 = arith.constant 256 : i32
    %mul3A_58 = arith.muli %arg1, %mul3A_57 : i32
    %run_scoped3A_59 = arith.constant 1 : i32
    "tpu.region"() ({
      %run_scoped3A_89 = tpu.sem_alloc : memref<!tpu.dma_semaphore, #tpu.memory_space<semaphore_mem>>
      %dma_start3A_90 = arith.constant 0 : i32
      %dma_start3A_91 = tpu.memref_slice %arg5[%arg0, %run_scoped3A_59, %mul3A_58, %dma_start3A_90] : memref<2x3x4096x128xi32, #tpu.memory_space<hbm>> -> memref<1x1x256x128xi32, #tpu.memory_space<hbm>>
      %dma_start3A_92 = tpu.memref_squeeze %dma_start3A_91 : memref<1x1x256x128xi32, #tpu.memory_space<hbm>> -> memref<256x128xi32, #tpu.memory_space<hbm>>
      %dma_start3A_93 = arith.constant 0 : i32
      %dma_start3A_94 = tpu.memref_slice %arg11[%mul3A_56, %dma_start3A_93] : memref<4096x128xi32, #tpu.memory_space<vmem_shared>> -> memref<256x128xi32, #tpu.memory_space<vmem_shared>>
      tpu.enqueue_dma source(%dma_start3A_94 : memref<256x128xi32, #tpu.memory_space<vmem_shared>>) target(%dma_start3A_92 : memref<256x128xi32, #tpu.memory_space<hbm>>) target_semaphore(%run_scoped3A_89 : memref<!tpu.dma_semaphore, #tpu.memory_space<semaphore_mem>>)
      %dma_wait3A = arith.constant 0 : i32
      %dma_wait3A_95 = tpu.memref_slice %arg5[%arg0, %run_scoped3A_59, %mul3A_58, %dma_wait3A] : memref<2x3x4096x128xi32, #tpu.memory_space<hbm>> -> memref<1x1x256x128xi32, #tpu.memory_space<hbm>>
      %dma_wait3A_96 = tpu.memref_squeeze %dma_wait3A_95 : memref<1x1x256x128xi32, #tpu.memory_space<hbm>> -> memref<256x128xi32, #tpu.memory_space<hbm>>
      %dma_wait3A_97 = arith.constant 0 : i32
      %dma_wait3A_98 = tpu.memref_slice %arg11[%mul3A_56, %dma_wait3A_97] : memref<4096x128xi32, #tpu.memory_space<vmem_shared>> -> memref<256x128xi32, #tpu.memory_space<vmem_shared>>
      tpu.wait_dma2 semaphore(%run_scoped3A_89 : memref<!tpu.dma_semaphore, #tpu.memory_space<semaphore_mem>>) src(%dma_wait3A_98 : memref<256x128xi32, #tpu.memory_space<vmem_shared>>) dst(%dma_wait3A_96 : memref<256x128xi32, #tpu.memory_space<hbm>>)
      tpu.yield
    }) : () -> ()
    %run_scoped3A_60 = arith.constant 2 : i32
    "tpu.region"() ({
      %run_scoped3A_89 = tpu.sem_alloc : memref<!tpu.dma_semaphore, #tpu.memory_space<semaphore_mem>>
      %dma_start3A_90 = arith.constant 0 : i32
      %dma_start3A_91 = arith.constant 0 : i32
      %dma_start3A_92 = tpu.memref_slice %arg4[%run_scoped3A_60, %add3A, %dma_start3A_90, %dma_start3A_91] : memref<3x32x80x128xi32, #tpu.memory_space<hbm>> -> memref<1x1x80x128xi32, #tpu.memory_space<hbm>>
      %dma_start3A_93 = tpu.memref_squeeze %dma_start3A_92 : memref<1x1x80x128xi32, #tpu.memory_space<hbm>> -> memref<80x128xi32, #tpu.memory_space<hbm>>
      %dma_start3A_94 = arith.constant 0 : i32
      %dma_start3A_95 = arith.constant 0 : i32
      %dma_start3A_96 = tpu.memref_slice %arg4[%run_scoped3A_60, %add3A, %dma_start3A_94, %dma_start3A_95] : memref<3x32x80x128xi32, #tpu.memory_space<hbm>> -> memref<1x1x80x128xi32, #tpu.memory_space<hbm>>
      %dma_start3A_97 = tpu.memref_squeeze %dma_start3A_96 : memref<1x1x80x128xi32, #tpu.memory_space<hbm>> -> memref<80x128xi32, #tpu.memory_space<hbm>>
      tpu.enqueue_dma source(%dma_start3A_97 : memref<80x128xi32, #tpu.memory_space<hbm>>) target(%arg7 : memref<80x128xi32, #tpu.memory_space<vmem>>) target_semaphore(%run_scoped3A_89 : memref<!tpu.dma_semaphore, #tpu.memory_space<semaphore_mem>>)
      %dma_wait3A = arith.constant 0 : i32
      %dma_wait3A_98 = arith.constant 0 : i32
      %dma_wait3A_99 = tpu.memref_slice %arg4[%run_scoped3A_60, %add3A, %dma_wait3A, %dma_wait3A_98] : memref<3x32x80x128xi32, #tpu.memory_space<hbm>> -> memref<1x1x80x128xi32, #tpu.memory_space<hbm>>
      %dma_wait3A_100 = tpu.memref_squeeze %dma_wait3A_99 : memref<1x1x80x128xi32, #tpu.memory_space<hbm>> -> memref<80x128xi32, #tpu.memory_space<hbm>>
      %dma_wait3A_101 = arith.constant 0 : i32
      %dma_wait3A_102 = arith.constant 0 : i32
      %dma_wait3A_103 = tpu.memref_slice %arg4[%run_scoped3A_60, %add3A, %dma_wait3A_101, %dma_wait3A_102] : memref<3x32x80x128xi32, #tpu.memory_space<hbm>> -> memref<1x1x80x128xi32, #tpu.memory_space<hbm>>
      %dma_wait3A_104 = tpu.memref_squeeze %dma_wait3A_103 : memref<1x1x80x128xi32, #tpu.memory_space<hbm>> -> memref<80x128xi32, #tpu.memory_space<hbm>>
      tpu.wait_dma2 semaphore(%run_scoped3A_89 : memref<!tpu.dma_semaphore, #tpu.memory_space<semaphore_mem>>) src(%dma_wait3A_104 : memref<80x128xi32, #tpu.memory_space<hbm>>) dst(%arg7 : memref<80x128xi32, #tpu.memory_space<vmem>>)
      tpu.yield
    }) : () -> ()
    %mul3A_61 = arith.constant 256 : i32
    %mul3A_62 = arith.muli %arg1, %mul3A_61 : i32
    "tpu.region"() ({
      %run_scoped3A_89 = tpu.sem_alloc : memref<!tpu.dma_semaphore, #tpu.memory_space<semaphore_mem>>
      %dma_start3A_90 = arith.constant 0 : i32
      %dma_start3A_91 = tpu.memref_slice %arg11[%mul3A_62, %dma_start3A_90] : memref<4096x128xi32, #tpu.memory_space<vmem_shared>> -> memref<256x128xi32, #tpu.memory_space<vmem_shared>>
      %dma_start3A_92 = arith.constant 0 : i32
      %dma_start3A_93 = tpu.memref_slice %arg11[%mul3A_62, %dma_start3A_92] : memref<4096x128xi32, #tpu.memory_space<vmem_shared>> -> memref<256x128xi32, #tpu.memory_space<vmem_shared>>
      tpu.enqueue_dma source(%arg10 : memref<256x128xi32, #tpu.memory_space<vmem>>) target(%dma_start3A_93 : memref<256x128xi32, #tpu.memory_space<vmem_shared>>) target_semaphore(%run_scoped3A_89 : memref<!tpu.dma_semaphore, #tpu.memory_space<semaphore_mem>>)
      %dma_wait3A = arith.constant 0 : i32
      %dma_wait3A_94 = tpu.memref_slice %arg11[%mul3A_62, %dma_wait3A] : memref<4096x128xi32, #tpu.memory_space<vmem_shared>> -> memref<256x128xi32, #tpu.memory_space<vmem_shared>>
      %dma_wait3A_95 = arith.constant 0 : i32
      %dma_wait3A_96 = tpu.memref_slice %arg11[%mul3A_62, %dma_wait3A_95] : memref<4096x128xi32, #tpu.memory_space<vmem_shared>> -> memref<256x128xi32, #tpu.memory_space<vmem_shared>>
      tpu.wait_dma2 semaphore(%run_scoped3A_89 : memref<!tpu.dma_semaphore, #tpu.memory_space<semaphore_mem>>) src(%arg10 : memref<256x128xi32, #tpu.memory_space<vmem>>) dst(%dma_wait3A_96 : memref<256x128xi32, #tpu.memory_space<vmem_shared>>)
      tpu.yield
    }) : () -> ()
    %barrier3A_63 = arith.constant 0 : index
    tpu.barrier barrier_id(%barrier3A_63)
    %dma_start3A_64 = arith.constant 0 : i32
    %dma_start3A_65 = arith.constant 0 : i32
    %dma_start3A_66 = tpu.memref_slice %arg6[%dma_start3A_64, %dma_start3A_65] : memref<80x128xi32, #tpu.memory_space<vmem>> -> memref<1x128xi32, #tpu.memory_space<vmem>>
    %dma_start3A_67 = tpu.memref_squeeze %dma_start3A_66 : memref<1x128xi32, #tpu.memory_space<vmem>> -> memref<128xi32, #tpu.memory_space<vmem>>
    %dma_start3A_68 = arith.constant 0 : i32
    %dma_start3A_69 = arith.constant 0 : i32
    %dma_start3A_70 = tpu.memref_slice %arg2[%dma_start3A_68, %dma_start3A_69] : memref<10000x128xi32, #tpu.memory_space<hbm>> -> memref<10000x128xi32, #tpu.memory_space<hbm>>
    tpu.enqueue_indirect_dma source(%dma_start3A_70 : memref<10000x128xi32, #tpu.memory_space<hbm>>) target(%arg8 : memref<128x128xi32, #tpu.memory_space<vmem>>) offsets(%dma_start3A_67 : memref<128xi32, #tpu.memory_space<vmem>>) semaphore(%arg12 : memref<!tpu.dma_semaphore, #tpu.memory_space<semaphore_mem>>)
    %dma_start3A_71 = arith.constant 1 : i32
    %dma_start3A_72 = arith.constant 0 : i32
    %dma_start3A_73 = tpu.memref_slice %arg6[%dma_start3A_71, %dma_start3A_72] : memref<80x128xi32, #tpu.memory_space<vmem>> -> memref<1x128xi32, #tpu.memory_space<vmem>>
    %dma_start3A_74 = tpu.memref_squeeze %dma_start3A_73 : memref<1x128xi32, #tpu.memory_space<vmem>> -> memref<128xi32, #tpu.memory_space<vmem>>
    %dma_start3A_75 = arith.constant 0 : i32
    %dma_start3A_76 = arith.constant 0 : i32
    %dma_start3A_77 = tpu.memref_slice %arg2[%dma_start3A_75, %dma_start3A_76] : memref<10000x128xi32, #tpu.memory_space<hbm>> -> memref<10000x128xi32, #tpu.memory_space<hbm>>
    tpu.enqueue_indirect_dma source(%dma_start3A_77 : memref<10000x128xi32, #tpu.memory_space<hbm>>) target(%arg9 : memref<128x128xi32, #tpu.memory_space<vmem>>) offsets(%dma_start3A_74 : memref<128xi32, #tpu.memory_space<vmem>>) semaphore(%arg13 : memref<!tpu.dma_semaphore, #tpu.memory_space<semaphore_mem>>)
    %scan3A_78 = arith.constant 0 : i32
    %scan3A_79 = arith.constant 40 : i32
    %scan3A_80 = arith.addi %scan3A_78, %scan3A_79 : i32
    %scan3A_81 = arith.constant 1 : i32
    scf.for %scan3A_89 = %scan3A_78 to %scan3A_80 step %scan3A_81  : i32 {
      %mul3A_90 = arith.constant 2 : i32
      %mul3A_91 = arith.muli %scan3A_89, %mul3A_90 : i32
      %add3A_92 = arith.constant 0 : i32
      %add3A_93 = arith.addi %add3A_92, %mul3A_91 : i32
      %dma_wait3A = arith.constant 0 : i32
      %dma_wait3A_94 = tpu.memref_slice %arg6[%add3A_93, %dma_wait3A] : memref<80x128xi32, #tpu.memory_space<vmem>> -> memref<1x128xi32, #tpu.memory_space<vmem>>
      %dma_wait3A_95 = tpu.memref_squeeze %dma_wait3A_94 : memref<1x128xi32, #tpu.memory_space<vmem>> -> memref<128xi32, #tpu.memory_space<vmem>>
      %dma_wait3A_96 = arith.constant 0 : i32
      %dma_wait3A_97 = arith.constant 0 : i32
      %dma_wait3A_98 = tpu.memref_slice %arg2[%dma_wait3A_96, %dma_wait3A_97] : memref<10000x128xi32, #tpu.memory_space<hbm>> -> memref<10000x128xi32, #tpu.memory_space<hbm>>
      tpu.wait_indirect_dma semaphore(%arg12 : memref<!tpu.dma_semaphore, #tpu.memory_space<semaphore_mem>>) src(%dma_wait3A_98 : memref<10000x128xi32, #tpu.memory_space<hbm>>) dst(%arg8 : memref<128x128xi32, #tpu.memory_space<vmem>>)
      "tpu.region"() ({
        %run_scoped3A_120 = tpu.sem_alloc : memref<!tpu.dma_semaphore, #tpu.memory_space<semaphore_mem>>
        %dma_start3A_121 = arith.constant 0 : i32
        %dma_start3A_122 = tpu.memref_slice %arg7[%add3A_93, %dma_start3A_121] : memref<80x128xi32, #tpu.memory_space<vmem>> -> memref<1x128xi32, #tpu.memory_space<vmem>>
        %dma_start3A_123 = tpu.memref_squeeze %dma_start3A_122 : memref<1x128xi32, #tpu.memory_space<vmem>> -> memref<128xi32, #tpu.memory_space<vmem>>
        %dma_start3A_124 = arith.constant 0 : i32
        %dma_start3A_125 = arith.constant 0 : i32
        %dma_start3A_126 = tpu.memref_slice %arg11[%dma_start3A_124, %dma_start3A_125] : memref<4096x128xi32, #tpu.memory_space<vmem_shared>> -> memref<4096x128xi32, #tpu.memory_space<vmem_shared>>
        tpu.enqueue_indirect_dma source(%arg8 : memref<128x128xi32, #tpu.memory_space<vmem>>) target(%dma_start3A_126 : memref<4096x128xi32, #tpu.memory_space<vmem_shared>>) offsets(%dma_start3A_123 : memref<128xi32, #tpu.memory_space<vmem>>) semaphore(%run_scoped3A_120 : memref<!tpu.dma_semaphore, #tpu.memory_space<semaphore_mem>>) {add = true}
        %dma_wait3A_127 = arith.constant 0 : i32
        %dma_wait3A_128 = tpu.memref_slice %arg7[%add3A_93, %dma_wait3A_127] : memref<80x128xi32, #tpu.memory_space<vmem>> -> memref<1x128xi32, #tpu.memory_space<vmem>>
        %dma_wait3A_129 = tpu.memref_squeeze %dma_wait3A_128 : memref<1x128xi32, #tpu.memory_space<vmem>> -> memref<128xi32, #tpu.memory_space<vmem>>
        %dma_wait3A_130 = arith.constant 0 : i32
        %dma_wait3A_131 = arith.constant 0 : i32
        %dma_wait3A_132 = tpu.memref_slice %arg11[%dma_wait3A_130, %dma_wait3A_131] : memref<4096x128xi32, #tpu.memory_space<vmem_shared>> -> memref<4096x128xi32, #tpu.memory_space<vmem_shared>>
        tpu.wait_indirect_dma semaphore(%run_scoped3A_120 : memref<!tpu.dma_semaphore, #tpu.memory_space<semaphore_mem>>) src(%arg8 : memref<128x128xi32, #tpu.memory_space<vmem>>) dst(%dma_wait3A_132 : memref<4096x128xi32, #tpu.memory_space<vmem_shared>>)
        tpu.yield
      }) : () -> ()
      %add3A_99 = arith.constant 2 : i32
      %add3A_100 = arith.addi %add3A_93, %add3A_99 : i32
      %lt3A = arith.constant 80 : i32
      %lt3A_101 = arith.cmpi slt, %add3A_100, %lt3A : i32
      %convert_element_type3A = arith.extui %lt3A_101 : i1 to i32
      %cond3A = arith.constant 0 : i32
      %cond3A_102 = arith.cmpi ne, %convert_element_type3A, %cond3A : i32
      scf.if %cond3A_102 {
        %add3A_120 = arith.constant 2 : i32
        %add3A_121 = arith.addi %add3A_93, %add3A_120 : i32
        %dma_start3A_122 = arith.constant 0 : i32
        %dma_start3A_123 = tpu.memref_slice %arg6[%add3A_121, %dma_start3A_122] : memref<80x128xi32, #tpu.memory_space<vmem>> -> memref<1x128xi32, #tpu.memory_space<vmem>>
        %dma_start3A_124 = tpu.memref_squeeze %dma_start3A_123 : memref<1x128xi32, #tpu.memory_space<vmem>> -> memref<128xi32, #tpu.memory_space<vmem>>
        %dma_start3A_125 = arith.constant 0 : i32
        %dma_start3A_126 = arith.constant 0 : i32
        %dma_start3A_127 = tpu.memref_slice %arg2[%dma_start3A_125, %dma_start3A_126] : memref<10000x128xi32, #tpu.memory_space<hbm>> -> memref<10000x128xi32, #tpu.memory_space<hbm>>
        tpu.enqueue_indirect_dma source(%dma_start3A_127 : memref<10000x128xi32, #tpu.memory_space<hbm>>) target(%arg8 : memref<128x128xi32, #tpu.memory_space<vmem>>) offsets(%dma_start3A_124 : memref<128xi32, #tpu.memory_space<vmem>>) semaphore(%arg12 : memref<!tpu.dma_semaphore, #tpu.memory_space<semaphore_mem>>)
      } else {
      }
      %add3A_103 = arith.constant 1 : i32
      %add3A_104 = arith.addi %add3A_93, %add3A_103 : i32
      %dma_wait3A_105 = arith.constant 0 : i32
      %dma_wait3A_106 = tpu.memref_slice %arg6[%add3A_104, %dma_wait3A_105] : memref<80x128xi32, #tpu.memory_space<vmem>> -> memref<1x128xi32, #tpu.memory_space<vmem>>
      %dma_wait3A_107 = tpu.memref_squeeze %dma_wait3A_106 : memref<1x128xi32, #tpu.memory_space<vmem>> -> memref<128xi32, #tpu.memory_space<vmem>>
      %dma_wait3A_108 = arith.constant 0 : i32
      %dma_wait3A_109 = arith.constant 0 : i32
      %dma_wait3A_110 = tpu.memref_slice %arg2[%dma_wait3A_108, %dma_wait3A_109] : memref<10000x128xi32, #tpu.memory_space<hbm>> -> memref<10000x128xi32, #tpu.memory_space<hbm>>
      tpu.wait_indirect_dma semaphore(%arg13 : memref<!tpu.dma_semaphore, #tpu.memory_space<semaphore_mem>>) src(%dma_wait3A_110 : memref<10000x128xi32, #tpu.memory_space<hbm>>) dst(%arg9 : memref<128x128xi32, #tpu.memory_space<vmem>>)
      %add3A_111 = arith.constant 1 : i32
      %add3A_112 = arith.addi %add3A_93, %add3A_111 : i32
      "tpu.region"() ({
        %run_scoped3A_120 = tpu.sem_alloc : memref<!tpu.dma_semaphore, #tpu.memory_space<semaphore_mem>>
        %dma_start3A_121 = arith.constant 0 : i32
        %dma_start3A_122 = tpu.memref_slice %arg7[%add3A_112, %dma_start3A_121] : memref<80x128xi32, #tpu.memory_space<vmem>> -> memref<1x128xi32, #tpu.memory_space<vmem>>
        %dma_start3A_123 = tpu.memref_squeeze %dma_start3A_122 : memref<1x128xi32, #tpu.memory_space<vmem>> -> memref<128xi32, #tpu.memory_space<vmem>>
        %dma_start3A_124 = arith.constant 0 : i32
        %dma_start3A_125 = arith.constant 0 : i32
        %dma_start3A_126 = tpu.memref_slice %arg11[%dma_start3A_124, %dma_start3A_125] : memref<4096x128xi32, #tpu.memory_space<vmem_shared>> -> memref<4096x128xi32, #tpu.memory_space<vmem_shared>>
        tpu.enqueue_indirect_dma source(%arg9 : memref<128x128xi32, #tpu.memory_space<vmem>>) target(%dma_start3A_126 : memref<4096x128xi32, #tpu.memory_space<vmem_shared>>) offsets(%dma_start3A_123 : memref<128xi32, #tpu.memory_space<vmem>>) semaphore(%run_scoped3A_120 : memref<!tpu.dma_semaphore, #tpu.memory_space<semaphore_mem>>) {add = true}
        %dma_wait3A_127 = arith.constant 0 : i32
        %dma_wait3A_128 = tpu.memref_slice %arg7[%add3A_112, %dma_wait3A_127] : memref<80x128xi32, #tpu.memory_space<vmem>> -> memref<1x128xi32, #tpu.memory_space<vmem>>
        %dma_wait3A_129 = tpu.memref_squeeze %dma_wait3A_128 : memref<1x128xi32, #tpu.memory_space<vmem>> -> memref<128xi32, #tpu.memory_space<vmem>>
        %dma_wait3A_130 = arith.constant 0 : i32
        %dma_wait3A_131 = arith.constant 0 : i32
        %dma_wait3A_132 = tpu.memref_slice %arg11[%dma_wait3A_130, %dma_wait3A_131] : memref<4096x128xi32, #tpu.memory_space<vmem_shared>> -> memref<4096x128xi32, #tpu.memory_space<vmem_shared>>
        tpu.wait_indirect_dma semaphore(%run_scoped3A_120 : memref<!tpu.dma_semaphore, #tpu.memory_space<semaphore_mem>>) src(%arg9 : memref<128x128xi32, #tpu.memory_space<vmem>>) dst(%dma_wait3A_132 : memref<4096x128xi32, #tpu.memory_space<vmem_shared>>)
        tpu.yield
      }) : () -> ()
      %add3A_113 = arith.constant 3 : i32
      %add3A_114 = arith.addi %add3A_93, %add3A_113 : i32
      %lt3A_115 = arith.constant 80 : i32
      %lt3A_116 = arith.cmpi slt, %add3A_114, %lt3A_115 : i32
      %convert_element_type3A_117 = arith.extui %lt3A_116 : i1 to i32
      %cond3A_118 = arith.constant 0 : i32
      %cond3A_119 = arith.cmpi ne, %convert_element_type3A_117, %cond3A_118 : i32
      scf.if %cond3A_119 {
        %add3A_120 = arith.constant 3 : i32
        %add3A_121 = arith.addi %add3A_93, %add3A_120 : i32
        %dma_start3A_122 = arith.constant 0 : i32
        %dma_start3A_123 = tpu.memref_slice %arg6[%add3A_121, %dma_start3A_122] : memref<80x128xi32, #tpu.memory_space<vmem>> -> memref<1x128xi32, #tpu.memory_space<vmem>>
        %dma_start3A_124 = tpu.memref_squeeze %dma_start3A_123 : memref<1x128xi32, #tpu.memory_space<vmem>> -> memref<128xi32, #tpu.memory_space<vmem>>
        %dma_start3A_125 = arith.constant 0 : i32
        %dma_start3A_126 = arith.constant 0 : i32
        %dma_start3A_127 = tpu.memref_slice %arg2[%dma_start3A_125, %dma_start3A_126] : memref<10000x128xi32, #tpu.memory_space<hbm>> -> memref<10000x128xi32, #tpu.memory_space<hbm>>
        tpu.enqueue_indirect_dma source(%dma_start3A_127 : memref<10000x128xi32, #tpu.memory_space<hbm>>) target(%arg9 : memref<128x128xi32, #tpu.memory_space<vmem>>) offsets(%dma_start3A_124 : memref<128xi32, #tpu.memory_space<vmem>>) semaphore(%arg13 : memref<!tpu.dma_semaphore, #tpu.memory_space<semaphore_mem>>)
      } else {
      }
    }
    %scan3A_82 = arith.constant 40 : i32
    %barrier3A_83 = arith.constant 0 : index
    tpu.barrier barrier_id(%barrier3A_83)
    %mul3A_84 = arith.constant 256 : i32
    %mul3A_85 = arith.muli %arg1, %mul3A_84 : i32
    %mul3A_86 = arith.constant 256 : i32
    %mul3A_87 = arith.muli %arg1, %mul3A_86 : i32
    %run_scoped3A_88 = arith.constant 2 : i32
    "tpu.region"() ({
      %run_scoped3A_89 = tpu.sem_alloc : memref<!tpu.dma_semaphore, #tpu.memory_space<semaphore_mem>>
      %dma_start3A_90 = arith.constant 0 : i32
      %dma_start3A_91 = tpu.memref_slice %arg5[%arg0, %run_scoped3A_88, %mul3A_87, %dma_start3A_90] : memref<2x3x4096x128xi32, #tpu.memory_space<hbm>> -> memref<1x1x256x128xi32, #tpu.memory_space<hbm>>
      %dma_start3A_92 = tpu.memref_squeeze %dma_start3A_91 : memref<1x1x256x128xi32, #tpu.memory_space<hbm>> -> memref<256x128xi32, #tpu.memory_space<hbm>>
      %dma_start3A_93 = arith.constant 0 : i32
      %dma_start3A_94 = tpu.memref_slice %arg11[%mul3A_85, %dma_start3A_93] : memref<4096x128xi32, #tpu.memory_space<vmem_shared>> -> memref<256x128xi32, #tpu.memory_space<vmem_shared>>
      tpu.enqueue_dma source(%dma_start3A_94 : memref<256x128xi32, #tpu.memory_space<vmem_shared>>) target(%dma_start3A_92 : memref<256x128xi32, #tpu.memory_space<hbm>>) target_semaphore(%run_scoped3A_89 : memref<!tpu.dma_semaphore, #tpu.memory_space<semaphore_mem>>)
      %dma_wait3A = arith.constant 0 : i32
      %dma_wait3A_95 = tpu.memref_slice %arg5[%arg0, %run_scoped3A_88, %mul3A_87, %dma_wait3A] : memref<2x3x4096x128xi32, #tpu.memory_space<hbm>> -> memref<1x1x256x128xi32, #tpu.memory_space<hbm>>
      %dma_wait3A_96 = tpu.memref_squeeze %dma_wait3A_95 : memref<1x1x256x128xi32, #tpu.memory_space<hbm>> -> memref<256x128xi32, #tpu.memory_space<hbm>>
      %dma_wait3A_97 = arith.constant 0 : i32
      %dma_wait3A_98 = tpu.memref_slice %arg11[%mul3A_85, %dma_wait3A_97] : memref<4096x128xi32, #tpu.memory_space<vmem_shared>> -> memref<256x128xi32, #tpu.memory_space<vmem_shared>>
      tpu.wait_dma2 semaphore(%run_scoped3A_89 : memref<!tpu.dma_semaphore, #tpu.memory_space<semaphore_mem>>) src(%dma_wait3A_98 : memref<256x128xi32, #tpu.memory_space<vmem_shared>>) dst(%dma_wait3A_96 : memref<256x128xi32, #tpu.memory_space<hbm>>)
      tpu.yield
    }) : () -> ()
    return
  }
}

module attributes {stable_mosaic.version = 14 : i64} {
  func.func @_embed_body(%arg0: memref<10000x2xf32, #tpu.memory_space<vmem>>, %arg1: memref<10000x128xf32, #tpu.memory_space<vmem>>, %arg2: memref<1x128xf32, #tpu.memory_space<vmem>>, %arg3: memref<1x128xf32, #tpu.memory_space<vmem>>, %arg4: memref<1x128xf32, #tpu.memory_space<vmem>>, %arg5: memref<1x128xf32, #tpu.memory_space<vmem>>, %arg6: memref<128x128xf32, #tpu.memory_space<vmem>>, %arg7: memref<128x128xf32, #tpu.memory_space<vmem>>, %arg8: memref<1x128xf32, #tpu.memory_space<vmem>>, %arg9: memref<10000x128xf32, #tpu.memory_space<vmem>>) attributes {dimension_semantics = [], scalar_prefetch = 0 : i64, scratch_operands = 0 : i64, tpu.core_type = #tpu.core_type<tc>} {
    %get3A = arith.constant 0 : index
    %get3A_0 = arith.constant 0 : index
    %get3A_1 = vector.load %arg0[%get3A, %get3A_0] : memref<10000x2xf32, #tpu.memory_space<vmem>>, vector<10000x2xf32>
    %slice3A = vector.extract_strided_slice %get3A_1 {offsets = [0, 0], sizes = [10000, 1], strides = [1, 1]} : vector<10000x2xf32> to vector<10000x1xf32>
    %get3A_2 = arith.constant 0 : index
    %get3A_3 = arith.constant 0 : index
    %get3A_4 = vector.load %arg2[%get3A_2, %get3A_3] : memref<1x128xf32, #tpu.memory_space<vmem>>, vector<1x128xf32>
    %mul3A = vector.broadcast %slice3A : vector<10000x1xf32> to vector<10000x128xf32>
    %mul3A_5 = vector.broadcast %get3A_4 : vector<1x128xf32> to vector<10000x128xf32>
    %mul3A_6 = arith.mulf %mul3A, %mul3A_5 : vector<10000x128xf32>
    %get3A_7 = arith.constant 0 : index
    %get3A_8 = arith.constant 0 : index
    %get3A_9 = vector.load %arg3[%get3A_7, %get3A_8] : memref<1x128xf32, #tpu.memory_space<vmem>>, vector<1x128xf32>
    %add3A = vector.broadcast %get3A_9 : vector<1x128xf32> to vector<10000x128xf32>
    %add3A_10 = arith.addf %mul3A_6, %add3A : vector<10000x128xf32>
    %slice3A_11 = vector.extract_strided_slice %get3A_1 {offsets = [0, 1], sizes = [10000, 1], strides = [1, 1]} : vector<10000x2xf32> to vector<10000x1xf32>
    %get3A_12 = arith.constant 0 : index
    %get3A_13 = arith.constant 0 : index
    %get3A_14 = vector.load %arg4[%get3A_12, %get3A_13] : memref<1x128xf32, #tpu.memory_space<vmem>>, vector<1x128xf32>
    %mul3A_15 = vector.broadcast %slice3A_11 : vector<10000x1xf32> to vector<10000x128xf32>
    %mul3A_16 = vector.broadcast %get3A_14 : vector<1x128xf32> to vector<10000x128xf32>
    %mul3A_17 = arith.mulf %mul3A_15, %mul3A_16 : vector<10000x128xf32>
    %get3A_18 = arith.constant 0 : index
    %get3A_19 = arith.constant 0 : index
    %get3A_20 = vector.load %arg5[%get3A_18, %get3A_19] : memref<1x128xf32, #tpu.memory_space<vmem>>, vector<1x128xf32>
    %add3A_21 = vector.broadcast %get3A_20 : vector<1x128xf32> to vector<10000x128xf32>
    %add3A_22 = arith.addf %mul3A_17, %add3A_21 : vector<10000x128xf32>
    %add3A_23 = arith.addf %add3A_10, %add3A_22 : vector<10000x128xf32>
    %get3A_24 = arith.constant 0 : index
    %get3A_25 = arith.constant 0 : index
    %get3A_26 = vector.load %arg6[%get3A_24, %get3A_25] : memref<128x128xf32, #tpu.memory_space<vmem>>, vector<128x128xf32>
    %dot_general3A = arith.constant dense<0.000000e+00> : vector<10000x128xf32>
    %dot_general3A_27 = tpu.matmul %add3A_23, %get3A_26, %dot_general3A {dimension_numbers = #tpu.dot_dimension_numbers<[1], [0], [0], [1], [0, 0, 1, 1], [], []>, transpose_lhs_hint = false} : vector<10000x128xf32>, vector<128x128xf32>, vector<10000x128xf32> -> vector<10000x128xf32>
    %get3A_28 = arith.constant 0 : index
    %get3A_29 = arith.constant 0 : index
    %get3A_30 = vector.load %arg1[%get3A_28, %get3A_29] : memref<10000x128xf32, #tpu.memory_space<vmem>>, vector<10000x128xf32>
    %get3A_31 = arith.constant 0 : index
    %get3A_32 = arith.constant 0 : index
    %get3A_33 = vector.load %arg7[%get3A_31, %get3A_32] : memref<128x128xf32, #tpu.memory_space<vmem>>, vector<128x128xf32>
    %dot_general3A_34 = arith.constant dense<0.000000e+00> : vector<10000x128xf32>
    %dot_general3A_35 = tpu.matmul %get3A_30, %get3A_33, %dot_general3A_34 {dimension_numbers = #tpu.dot_dimension_numbers<[1], [0], [0], [1], [0, 0, 1, 1], [], []>, transpose_lhs_hint = false} : vector<10000x128xf32>, vector<128x128xf32>, vector<10000x128xf32> -> vector<10000x128xf32>
    %add3A_36 = arith.addf %dot_general3A_27, %dot_general3A_35 : vector<10000x128xf32>
    %get3A_37 = arith.constant 0 : index
    %get3A_38 = arith.constant 0 : index
    %get3A_39 = vector.load %arg8[%get3A_37, %get3A_38] : memref<1x128xf32, #tpu.memory_space<vmem>>, vector<1x128xf32>
    %add3A_40 = vector.broadcast %get3A_39 : vector<1x128xf32> to vector<10000x128xf32>
    %add3A_41 = arith.addf %add3A_36, %add3A_40 : vector<10000x128xf32>
    %swap3A = arith.constant 0 : index
    %swap3A_42 = arith.constant 0 : index
    %swap3A_43 = vector.load %arg9[%swap3A, %swap3A_42] : memref<10000x128xf32, #tpu.memory_space<vmem>>, vector<10000x128xf32>
    tpu.vector_store %arg9[%swap3A, %swap3A_42], %add3A_41 {strides = array<i32>} : memref<10000x128xf32, #tpu.memory_space<vmem>>, vector<10000x128xf32>,
    return
  }
}

module attributes {stable_mosaic.version = 14 : i64} {
  func.func @_gcn_body(%arg0: memref<2x3x4096x128xi32, #tpu.memory_space<vmem>>, %arg1: memref<10000x128xf32, #tpu.memory_space<vmem>>, %arg2: memref<10000x1xf32, #tpu.memory_space<vmem>>, %arg3: memref<1x1xf32, #tpu.memory_space<vmem>>, %arg4: memref<1x1xf32, #tpu.memory_space<vmem>>, %arg5: memref<128x128xf32, #tpu.memory_space<vmem>>, %arg6: memref<1x128xf32, #tpu.memory_space<vmem>>, %arg7: memref<10000x128xf32, #tpu.memory_space<vmem>>, %arg8: memref<10000x128xi32, #tpu.memory_space<vmem>>, %arg9: memref<10000x128xf32, #tpu.memory_space<vmem>>, %arg10: memref<1x1xf32, #tpu.memory_space<vmem>>) attributes {dimension_semantics = [], scalar_prefetch = 0 : i64, scratch_operands = 0 : i64, tpu.core_type = #tpu.core_type<tc>} {
    %get3A = arith.constant 0 : index
    %get3A_0 = arith.constant 0 : index
    %get3A_1 = vector.load %arg2[%get3A, %get3A_0] : memref<10000x1xf32, #tpu.memory_space<vmem>>, vector<10000x1xf32>
    %get3A_2 = arith.constant 0 : index
    %get3A_3 = arith.constant 0 : index
    %get3A_4 = vector.load %arg3[%get3A_2, %get3A_3] : memref<1x1xf32, #tpu.memory_space<vmem>>, vector<1x1xf32>
    %get3A_5 = vector.extract %get3A_4[0, 0] : f32 from vector<1x1xf32>
    %div3A = arith.constant 1.000000e+00 : f32
    %div3A_6 = arith.divf %div3A, %get3A_5 : f32
    %get3A_7 = arith.constant 0 : index
    %get3A_8 = arith.constant 0 : index
    %get3A_9 = arith.constant 0 : index
    %get3A_10 = arith.constant 0 : index
    %get3A_11 = vector.load %arg0[%get3A_7, %get3A_8, %get3A_9, %get3A_10] : memref<2x3x4096x128xi32, #tpu.memory_space<vmem>>, vector<1x3x4096x128xi32>
    %get3A_12 = vector.shape_cast %get3A_11 : vector<1x3x4096x128xi32> to vector<3x4096x128xi32>
    %get3A_13 = arith.constant 1 : index
    %get3A_14 = arith.constant 0 : index
    %get3A_15 = arith.constant 0 : index
    %get3A_16 = arith.constant 0 : index
    %get3A_17 = vector.load %arg0[%get3A_13, %get3A_14, %get3A_15, %get3A_16] : memref<2x3x4096x128xi32, #tpu.memory_space<vmem>>, vector<1x3x4096x128xi32>
    %get3A_18 = vector.shape_cast %get3A_17 : vector<1x3x4096x128xi32> to vector<3x4096x128xi32>
    %add3A = arith.addi %get3A_12, %get3A_18 : vector<3x4096x128xi32>
    %slice3A = vector.extract_strided_slice %add3A {offsets = [0, 0, 0], sizes = [1, 4000, 128], strides = [1, 1, 1]} : vector<3x4096x128xi32> to vector<1x4000x128xi32>
    %squeeze3A = vector.shape_cast %slice3A : vector<1x4000x128xi32> to vector<4000x128xi32>
    %slice3A_19 = vector.extract_strided_slice %add3A {offsets = [1, 0, 0], sizes = [1, 4000, 128], strides = [1, 1, 1]} : vector<3x4096x128xi32> to vector<1x4000x128xi32>
    %squeeze3A_20 = vector.shape_cast %slice3A_19 : vector<1x4000x128xi32> to vector<4000x128xi32>
    %slice3A_21 = vector.extract_strided_slice %add3A {offsets = [2, 0, 0], sizes = [1, 2000, 128], strides = [1, 1, 1]} : vector<3x4096x128xi32> to vector<1x2000x128xi32>
    %squeeze3A_22 = vector.shape_cast %slice3A_21 : vector<1x2000x128xi32> to vector<2000x128xi32>
    %concatenate3A = tpu.concatenate %squeeze3A, %squeeze3A_20, %squeeze3A_22 in 0 : vector<4000x128xi32>, vector<4000x128xi32>, vector<2000x128xi32> -> vector<10000x128xi32>
    %convert_element_type3A = arith.sitofp %concatenate3A : vector<10000x128xi32> to vector<10000x128xf32>
    %mul3A = vector.broadcast %div3A_6 : f32 to vector<10000x128xf32>
    %mul3A_23 = arith.mulf %convert_element_type3A, %mul3A : vector<10000x128xf32>
    %get3A_24 = arith.constant 0 : index
    %get3A_25 = arith.constant 0 : index
    %get3A_26 = vector.load %arg1[%get3A_24, %get3A_25] : memref<10000x128xf32, #tpu.memory_space<vmem>>, vector<10000x128xf32>
    %add3A_27 = arith.addf %mul3A_23, %get3A_26 : vector<10000x128xf32>
    %mul3A_28 = vector.broadcast %get3A_1 : vector<10000x1xf32> to vector<10000x128xf32>
    %mul3A_29 = arith.mulf %add3A_27, %mul3A_28 : vector<10000x128xf32>
    %get3A_30 = arith.constant 0 : index
    %get3A_31 = arith.constant 0 : index
    %get3A_32 = vector.load %arg5[%get3A_30, %get3A_31] : memref<128x128xf32, #tpu.memory_space<vmem>>, vector<128x128xf32>
    %dot_general3A = arith.constant dense<0.000000e+00> : vector<10000x128xf32>
    %dot_general3A_33 = tpu.matmul %mul3A_29, %get3A_32, %dot_general3A {dimension_numbers = #tpu.dot_dimension_numbers<[1], [0], [0], [1], [0, 0, 1, 1], [], []>, transpose_lhs_hint = false} : vector<10000x128xf32>, vector<128x128xf32>, vector<10000x128xf32> -> vector<10000x128xf32>
    %get3A_34 = arith.constant 0 : index
    %get3A_35 = arith.constant 0 : index
    %get3A_36 = vector.load %arg6[%get3A_34, %get3A_35] : memref<1x128xf32, #tpu.memory_space<vmem>>, vector<1x128xf32>
    %add3A_37 = vector.broadcast %get3A_36 : vector<1x128xf32> to vector<10000x128xf32>
    %add3A_38 = arith.addf %dot_general3A_33, %add3A_37 : vector<10000x128xf32>
    %max3A = arith.constant 0.000000e+00 : f32
    %max3A_39 = vector.broadcast %max3A : f32 to vector<10000x128xf32>
    %max3A_40 = arith.maximumf %add3A_38, %max3A_39 : vector<10000x128xf32>
    %mul3A_41 = vector.broadcast %get3A_1 : vector<10000x1xf32> to vector<10000x128xf32>
    %mul3A_42 = arith.mulf %max3A_40, %mul3A_41 : vector<10000x128xf32>
    %abs3A = math.absf %mul3A_42 : vector<10000x128xf32>
    %reduce_max3A = vector.shape_cast %abs3A : vector<10000x128xf32> to vector<1x10000x128xf32>
    %reduce_max3A_43 = arith.constant dense<0xFF800000> : vector<1xf32>
    %reduce_max3A_44 = vector.multi_reduction <maximumf>, %reduce_max3A, %reduce_max3A_43 [1, 2] : vector<1x10000x128xf32> to vector<1xf32>
    %reduce_max3A_45 = vector.shape_cast %reduce_max3A_44 : vector<1xf32> to vector<1x1x1xf32>
    %reduce_max3A_46 = vector.extract %reduce_max3A_45[0, 0, 0] : f32 from vector<1x1x1xf32>
    %get3A_47 = arith.constant 0 : index
    %get3A_48 = arith.constant 0 : index
    %get3A_49 = vector.load %arg4[%get3A_47, %get3A_48] : memref<1x1xf32, #tpu.memory_space<vmem>>, vector<1x1xf32>
    %get3A_50 = vector.extract %get3A_49[0, 0] : f32 from vector<1x1xf32>
    %add3A_51 = arith.constant 1.000000e+00 : f32
    %add3A_52 = arith.addf %get3A_50, %add3A_51 : f32
    %mul3A_53 = arith.mulf %reduce_max3A_46, %add3A_52 : f32
    %add3A_54 = arith.constant 1.000000e-30 : f32
    %add3A_55 = arith.addf %mul3A_53, %add3A_54 : f32
    %div3A_56 = arith.constant 1.07374182E+9 : f32
    %div3A_57 = arith.divf %div3A_56, %add3A_55 : f32
    %log3A = math.log %div3A_57 : f32
    %log3A_58 = arith.constant 2.000000e+00 : f32
    %log3A_59 = math.log %log3A_58 : f32
    %div3A_60 = arith.divf %log3A, %log3A_59 : f32
    %floor3A = math.floor %div3A_60 : f32
    %exp23A = math.exp2 %floor3A : f32
    %gt3A = arith.constant 0.000000e+00 : f32
    %gt3A_61 = arith.cmpf ogt, %reduce_max3A_46, %gt3A : f32
    %min3A = arith.constant 1.09951163E+12 : f32
    %min3A_62 = arith.minimumf %exp23A, %min3A : f32
    %jit3A = arith.constant 1.000000e+00 : f32
    %select_n3A = arith.select %gt3A_61, %min3A_62, %jit3A : f32
    %swap3A = arith.constant 0 : index
    %swap3A_63 = arith.constant 0 : index
    %swap3A_64 = vector.load %arg7[%swap3A, %swap3A_63] : memref<10000x128xf32, #tpu.memory_space<vmem>>, vector<10000x128xf32>
    tpu.vector_store %arg7[%swap3A, %swap3A_63], %max3A_40 {strides = array<i32>} : memref<10000x128xf32, #tpu.memory_space<vmem>>, vector<10000x128xf32>,
    %mul3A_65 = vector.broadcast %select_n3A : f32 to vector<10000x128xf32>
    %mul3A_66 = arith.mulf %mul3A_42, %mul3A_65 : vector<10000x128xf32>
    %round3A = math.roundeven %mul3A_66 : vector<10000x128xf32>
    %convert_element_type3A_67 = arith.fptosi %round3A : vector<10000x128xf32> to vector<10000x128xi32>
    %swap3A_68 = arith.constant 0 : index
    %swap3A_69 = arith.constant 0 : index
    %swap3A_70 = vector.load %arg8[%swap3A_68, %swap3A_69] : memref<10000x128xi32, #tpu.memory_space<vmem>>, vector<10000x128xi32>
    tpu.vector_store %arg8[%swap3A_68, %swap3A_69], %convert_element_type3A_67 {strides = array<i32>} : memref<10000x128xi32, #tpu.memory_space<vmem>>, vector<10000x128xi32>,
    %swap3A_71 = arith.constant 0 : index
    %swap3A_72 = arith.constant 0 : index
    %swap3A_73 = vector.load %arg9[%swap3A_71, %swap3A_72] : memref<10000x128xf32, #tpu.memory_space<vmem>>, vector<10000x128xf32>
    tpu.vector_store %arg9[%swap3A_71, %swap3A_72], %mul3A_42 {strides = array<i32>} : memref<10000x128xf32, #tpu.memory_space<vmem>>, vector<10000x128xf32>,
    %broadcast_in_dim3A = arith.constant 1.000000e+00 : f32
    %broadcast_in_dim3A_74 = vector.broadcast %broadcast_in_dim3A : f32 to vector<1x1xf32>
    %mul3A_75 = vector.broadcast %select_n3A : f32 to vector<1x1xf32>
    %mul3A_76 = arith.mulf %broadcast_in_dim3A_74, %mul3A_75 : vector<1x1xf32>
    %swap3A_77 = arith.constant 0 : index
    %swap3A_78 = arith.constant 0 : index
    %swap3A_79 = vector.load %arg10[%swap3A_77, %swap3A_78] : memref<1x1xf32, #tpu.memory_space<vmem>>, vector<1x1xf32>
    tpu.vector_store %arg10[%swap3A_77, %swap3A_78], %mul3A_76 {strides = array<i32>} : memref<1x1xf32, #tpu.memory_space<vmem>>, vector<1x1xf32>,
    return
  }
}

module attributes {stable_mosaic.version = 14 : i64} {
  func.func @_scale_body(%arg0: memref<2x3x4096x128xi32, #tpu.memory_space<vmem>>, %arg1: memref<10000x128xf32, #tpu.memory_space<vmem>>, %arg2: memref<10000x128xi32, #tpu.memory_space<vmem>>, %arg3: memref<10000x128xf32, #tpu.memory_space<vmem>>, %arg4: memref<10000x1xf32, #tpu.memory_space<vmem>>, %arg5: memref<1x1xf32, #tpu.memory_space<vmem>>, %arg6: memref<1x1xf32, #tpu.memory_space<vmem>>) attributes {dimension_semantics = [], scalar_prefetch = 0 : i64, scratch_operands = 0 : i64, tpu.core_type = #tpu.core_type<tc>} {
    %get3A = arith.constant 0 : index
    %get3A_0 = arith.constant 0 : index
    %get3A_1 = arith.constant 0 : index
    %get3A_2 = arith.constant 0 : index
    %get3A_3 = vector.load %arg0[%get3A, %get3A_0, %get3A_1, %get3A_2] : memref<2x3x4096x128xi32, #tpu.memory_space<vmem>>, vector<1x3x4096x1xi32>
    %get3A_4 = vector.shape_cast %get3A_3 : vector<1x3x4096x1xi32> to vector<3x4096x1xi32>
    %get3A_5 = arith.constant 1 : index
    %get3A_6 = arith.constant 0 : index
    %get3A_7 = arith.constant 0 : index
    %get3A_8 = arith.constant 0 : index
    %get3A_9 = vector.load %arg0[%get3A_5, %get3A_6, %get3A_7, %get3A_8] : memref<2x3x4096x128xi32, #tpu.memory_space<vmem>>, vector<1x3x4096x1xi32>
    %get3A_10 = vector.shape_cast %get3A_9 : vector<1x3x4096x1xi32> to vector<3x4096x1xi32>
    %add3A = arith.addi %get3A_4, %get3A_10 : vector<3x4096x1xi32>
    %slice3A = vector.extract_strided_slice %add3A {offsets = [0, 0, 0], sizes = [1, 4000, 1], strides = [1, 1, 1]} : vector<3x4096x1xi32> to vector<1x4000x1xi32>
    %squeeze3A = vector.shape_cast %slice3A : vector<1x4000x1xi32> to vector<4000x1xi32>
    %slice3A_11 = vector.extract_strided_slice %add3A {offsets = [1, 0, 0], sizes = [1, 4000, 1], strides = [1, 1, 1]} : vector<3x4096x1xi32> to vector<1x4000x1xi32>
    %squeeze3A_12 = vector.shape_cast %slice3A_11 : vector<1x4000x1xi32> to vector<4000x1xi32>
    %slice3A_13 = vector.extract_strided_slice %add3A {offsets = [2, 0, 0], sizes = [1, 2000, 1], strides = [1, 1, 1]} : vector<3x4096x1xi32> to vector<1x2000x1xi32>
    %squeeze3A_14 = vector.shape_cast %slice3A_13 : vector<1x2000x1xi32> to vector<2000x1xi32>
    %concatenate3A = tpu.concatenate %squeeze3A, %squeeze3A_12, %squeeze3A_14 in 0 : vector<4000x1xi32>, vector<4000x1xi32>, vector<2000x1xi32> -> vector<10000x1xi32>
    %convert_element_type3A = arith.sitofp %concatenate3A : vector<10000x1xi32> to vector<10000x1xf32>
    %add3A_15 = arith.constant 1.000000e+00 : f32
    %add3A_16 = vector.broadcast %add3A_15 : f32 to vector<10000x1xf32>
    %add3A_17 = arith.addf %convert_element_type3A, %add3A_16 : vector<10000x1xf32>
    %rsqrt3A = math.rsqrt %add3A_17 : vector<10000x1xf32>
    %get3A_18 = arith.constant 0 : index
    %get3A_19 = arith.constant 0 : index
    %get3A_20 = vector.load %arg1[%get3A_18, %get3A_19] : memref<10000x128xf32, #tpu.memory_space<vmem>>, vector<10000x128xf32>
    %mul3A = vector.broadcast %rsqrt3A : vector<10000x1xf32> to vector<10000x128xf32>
    %mul3A_21 = arith.mulf %get3A_20, %mul3A : vector<10000x128xf32>
    %reduce_max3A = vector.shape_cast %convert_element_type3A : vector<10000x1xf32> to vector<1x10000x1xf32>
    %reduce_max3A_22 = arith.constant dense<0xFF800000> : vector<1xf32>
    %reduce_max3A_23 = vector.multi_reduction <maximumf>, %reduce_max3A, %reduce_max3A_22 [1, 2] : vector<1x10000x1xf32> to vector<1xf32>
    %reduce_max3A_24 = vector.shape_cast %reduce_max3A_23 : vector<1xf32> to vector<1x1x1xf32>
    %reduce_max3A_25 = vector.extract %reduce_max3A_24[0, 0, 0] : f32 from vector<1x1x1xf32>
    %abs3A = math.absf %mul3A_21 : vector<10000x128xf32>
    %reduce_max3A_26 = vector.shape_cast %abs3A : vector<10000x128xf32> to vector<1x10000x128xf32>
    %reduce_max3A_27 = arith.constant dense<0xFF800000> : vector<1xf32>
    %reduce_max3A_28 = vector.multi_reduction <maximumf>, %reduce_max3A_26, %reduce_max3A_27 [1, 2] : vector<1x10000x128xf32> to vector<1xf32>
    %reduce_max3A_29 = vector.shape_cast %reduce_max3A_28 : vector<1xf32> to vector<1x1x1xf32>
    %reduce_max3A_30 = vector.extract %reduce_max3A_29[0, 0, 0] : f32 from vector<1x1x1xf32>
    %add3A_31 = arith.constant 1.000000e+00 : f32
    %add3A_32 = arith.addf %reduce_max3A_25, %add3A_31 : f32
    %mul3A_33 = arith.mulf %reduce_max3A_30, %add3A_32 : f32
    %add3A_34 = arith.constant 1.000000e-30 : f32
    %add3A_35 = arith.addf %mul3A_33, %add3A_34 : f32
    %div3A = arith.constant 1.07374182E+9 : f32
    %div3A_36 = arith.divf %div3A, %add3A_35 : f32
    %log3A = math.log %div3A_36 : f32
    %log3A_37 = arith.constant 2.000000e+00 : f32
    %log3A_38 = math.log %log3A_37 : f32
    %div3A_39 = arith.divf %log3A, %log3A_38 : f32
    %floor3A = math.floor %div3A_39 : f32
    %exp23A = math.exp2 %floor3A : f32
    %gt3A = arith.constant 0.000000e+00 : f32
    %gt3A_40 = arith.cmpf ogt, %reduce_max3A_30, %gt3A : f32
    %min3A = arith.constant 1.09951163E+12 : f32
    %min3A_41 = arith.minimumf %exp23A, %min3A : f32
    %jit3A = arith.constant 1.000000e+00 : f32
    %select_n3A = arith.select %gt3A_40, %min3A_41, %jit3A : f32
    %mul3A_42 = vector.broadcast %select_n3A : f32 to vector<10000x128xf32>
    %mul3A_43 = arith.mulf %mul3A_21, %mul3A_42 : vector<10000x128xf32>
    %round3A = math.roundeven %mul3A_43 : vector<10000x128xf32>
    %convert_element_type3A_44 = arith.fptosi %round3A : vector<10000x128xf32> to vector<10000x128xi32>
    %swap3A = arith.constant 0 : index
    %swap3A_45 = arith.constant 0 : index
    %swap3A_46 = vector.load %arg2[%swap3A, %swap3A_45] : memref<10000x128xi32, #tpu.memory_space<vmem>>, vector<10000x128xi32>
    tpu.vector_store %arg2[%swap3A, %swap3A_45], %convert_element_type3A_44 {strides = array<i32>} : memref<10000x128xi32, #tpu.memory_space<vmem>>, vector<10000x128xi32>,
    %swap3A_47 = arith.constant 0 : index
    %swap3A_48 = arith.constant 0 : index
    %swap3A_49 = vector.load %arg3[%swap3A_47, %swap3A_48] : memref<10000x128xf32, #tpu.memory_space<vmem>>, vector<10000x128xf32>
    tpu.vector_store %arg3[%swap3A_47, %swap3A_48], %mul3A_21 {strides = array<i32>} : memref<10000x128xf32, #tpu.memory_space<vmem>>, vector<10000x128xf32>,
    %swap3A_50 = arith.constant 0 : index
    %swap3A_51 = arith.constant 0 : index
    %swap3A_52 = vector.load %arg4[%swap3A_50, %swap3A_51] : memref<10000x1xf32, #tpu.memory_space<vmem>>, vector<10000x1xf32>
    tpu.vector_store %arg4[%swap3A_50, %swap3A_51], %rsqrt3A {strides = array<i32>} : memref<10000x1xf32, #tpu.memory_space<vmem>>, vector<10000x1xf32>,
    %broadcast_in_dim3A = arith.constant 1.000000e+00 : f32
    %broadcast_in_dim3A_53 = vector.broadcast %broadcast_in_dim3A : f32 to vector<1x1xf32>
    %mul3A_54 = vector.broadcast %select_n3A : f32 to vector<1x1xf32>
    %mul3A_55 = arith.mulf %broadcast_in_dim3A_53, %mul3A_54 : vector<1x1xf32>
    %swap3A_56 = arith.constant 0 : index
    %swap3A_57 = arith.constant 0 : index
    %swap3A_58 = vector.load %arg5[%swap3A_56, %swap3A_57] : memref<1x1xf32, #tpu.memory_space<vmem>>, vector<1x1xf32>
    tpu.vector_store %arg5[%swap3A_56, %swap3A_57], %mul3A_55 {strides = array<i32>} : memref<1x1xf32, #tpu.memory_space<vmem>>, vector<1x1xf32>,
    %broadcast_in_dim3A_59 = arith.constant 1.000000e+00 : f32
    %broadcast_in_dim3A_60 = vector.broadcast %broadcast_in_dim3A_59 : f32 to vector<1x1xf32>
    %mul3A_61 = vector.broadcast %reduce_max3A_25 : f32 to vector<1x1xf32>
    %mul3A_62 = arith.mulf %broadcast_in_dim3A_60, %mul3A_61 : vector<1x1xf32>
    %swap3A_63 = arith.constant 0 : index
    %swap3A_64 = arith.constant 0 : index
    %swap3A_65 = vector.load %arg6[%swap3A_63, %swap3A_64] : memref<1x1xf32, #tpu.memory_space<vmem>>, vector<1x1xf32>
    tpu.vector_store %arg6[%swap3A_63, %swap3A_64], %mul3A_62 {strides = array<i32>} : memref<1x1xf32, #tpu.memory_space<vmem>>, vector<1x1xf32>,
    return
  }
}

module attributes {stable_mosaic.version = 14 : i64} {
  func.func @_mlp_body(%arg0: memref<10000x128xf32, #tpu.memory_space<vmem>>, %arg1: memref<128x256xf32, #tpu.memory_space<vmem>>, %arg2: memref<1x256xf32, #tpu.memory_space<vmem>>, %arg3: memref<1x256xf32, #tpu.memory_space<vmem>>, %arg4: memref<1x256xf32, #tpu.memory_space<vmem>>, %arg5: memref<256x128xf32, #tpu.memory_space<vmem>>, %arg6: memref<1x128xf32, #tpu.memory_space<vmem>>, %arg7: memref<1x128xf32, #tpu.memory_space<vmem>>, %arg8: memref<1x128xf32, #tpu.memory_space<vmem>>, %arg9: memref<128x1xf32, #tpu.memory_space<vmem>>, %arg10: memref<1x1xf32, #tpu.memory_space<vmem>>, %arg11: memref<10000x1xf32, #tpu.memory_space<vmem>>) attributes {dimension_semantics = [], scalar_prefetch = 0 : i64, scratch_operands = 0 : i64, tpu.core_type = #tpu.core_type<tc>} {
    %get3A = arith.constant 0 : index
    %get3A_0 = arith.constant 0 : index
    %get3A_1 = vector.load %arg0[%get3A, %get3A_0] : memref<10000x128xf32, #tpu.memory_space<vmem>>, vector<10000x128xf32>
    %get3A_2 = arith.constant 0 : index
    %get3A_3 = arith.constant 0 : index
    %get3A_4 = vector.load %arg1[%get3A_2, %get3A_3] : memref<128x256xf32, #tpu.memory_space<vmem>>, vector<128x256xf32>
    %dot_general3A = arith.constant dense<0.000000e+00> : vector<10000x256xf32>
    %dot_general3A_5 = tpu.matmul %get3A_1, %get3A_4, %dot_general3A {dimension_numbers = #tpu.dot_dimension_numbers<[1], [0], [0], [1], [0, 0, 1, 1], [], []>, transpose_lhs_hint = false} : vector<10000x128xf32>, vector<128x256xf32>, vector<10000x256xf32> -> vector<10000x256xf32>
    %get3A_6 = arith.constant 0 : index
    %get3A_7 = arith.constant 0 : index
    %get3A_8 = vector.load %arg2[%get3A_6, %get3A_7] : memref<1x256xf32, #tpu.memory_space<vmem>>, vector<1x256xf32>
    %add3A = vector.broadcast %get3A_8 : vector<1x256xf32> to vector<10000x256xf32>
    %add3A_9 = arith.addf %dot_general3A_5, %add3A : vector<10000x256xf32>
    %reduce_sum3A = arith.constant dense<0.000000e+00> : vector<256xf32>
    %reduce_sum3A_10 = vector.multi_reduction <add>, %add3A_9, %reduce_sum3A [0] : vector<10000x256xf32> to vector<256xf32>
    %broadcast_in_dim3A = vector.shape_cast %reduce_sum3A_10 : vector<256xf32> to vector<1x256xf32>
    %div3A = arith.constant 1.000000e+04 : f32
    %div3A_11 = vector.broadcast %div3A : f32 to vector<1x256xf32>
    %div3A_12 = arith.divf %broadcast_in_dim3A, %div3A_11 : vector<1x256xf32>
    %sub3A = vector.broadcast %div3A_12 : vector<1x256xf32> to vector<10000x256xf32>
    %sub3A_13 = arith.subf %add3A_9, %sub3A : vector<10000x256xf32>
    %sub3A_14 = vector.broadcast %div3A_12 : vector<1x256xf32> to vector<10000x256xf32>
    %sub3A_15 = arith.subf %add3A_9, %sub3A_14 : vector<10000x256xf32>
    %mul3A = arith.mulf %sub3A_13, %sub3A_15 : vector<10000x256xf32>
    %reduce_sum3A_16 = arith.constant dense<0.000000e+00> : vector<256xf32>
    %reduce_sum3A_17 = vector.multi_reduction <add>, %mul3A, %reduce_sum3A_16 [0] : vector<10000x256xf32> to vector<256xf32>
    %broadcast_in_dim3A_18 = vector.shape_cast %reduce_sum3A_17 : vector<256xf32> to vector<1x256xf32>
    %div3A_19 = arith.constant 1.000000e+04 : f32
    %div3A_20 = vector.broadcast %div3A_19 : f32 to vector<1x256xf32>
    %div3A_21 = arith.divf %broadcast_in_dim3A_18, %div3A_20 : vector<1x256xf32>
    %sub3A_22 = vector.broadcast %div3A_12 : vector<1x256xf32> to vector<10000x256xf32>
    %sub3A_23 = arith.subf %add3A_9, %sub3A_22 : vector<10000x256xf32>
    %add3A_24 = arith.constant 9.99999974E-6 : f32
    %add3A_25 = vector.broadcast %add3A_24 : f32 to vector<1x256xf32>
    %add3A_26 = arith.addf %div3A_21, %add3A_25 : vector<1x256xf32>
    %rsqrt3A = math.rsqrt %add3A_26 : vector<1x256xf32>
    %mul3A_27 = vector.broadcast %rsqrt3A : vector<1x256xf32> to vector<10000x256xf32>
    %mul3A_28 = arith.mulf %sub3A_23, %mul3A_27 : vector<10000x256xf32>
    %get3A_29 = arith.constant 0 : index
    %get3A_30 = arith.constant 0 : index
    %get3A_31 = vector.load %arg3[%get3A_29, %get3A_30] : memref<1x256xf32, #tpu.memory_space<vmem>>, vector<1x256xf32>
    %mul3A_32 = vector.broadcast %get3A_31 : vector<1x256xf32> to vector<10000x256xf32>
    %mul3A_33 = arith.mulf %mul3A_28, %mul3A_32 : vector<10000x256xf32>
    %get3A_34 = arith.constant 0 : index
    %get3A_35 = arith.constant 0 : index
    %get3A_36 = vector.load %arg4[%get3A_34, %get3A_35] : memref<1x256xf32, #tpu.memory_space<vmem>>, vector<1x256xf32>
    %add3A_37 = vector.broadcast %get3A_36 : vector<1x256xf32> to vector<10000x256xf32>
    %add3A_38 = arith.addf %mul3A_33, %add3A_37 : vector<10000x256xf32>
    %max3A = arith.constant 0.000000e+00 : f32
    %max3A_39 = vector.broadcast %max3A : f32 to vector<10000x256xf32>
    %max3A_40 = arith.maximumf %add3A_38, %max3A_39 : vector<10000x256xf32>
    %get3A_41 = arith.constant 0 : index
    %get3A_42 = arith.constant 0 : index
    %get3A_43 = vector.load %arg5[%get3A_41, %get3A_42] : memref<256x128xf32, #tpu.memory_space<vmem>>, vector<256x128xf32>
    %dot_general3A_44 = arith.constant dense<0.000000e+00> : vector<10000x128xf32>
    %dot_general3A_45 = tpu.matmul %max3A_40, %get3A_43, %dot_general3A_44 {dimension_numbers = #tpu.dot_dimension_numbers<[1], [0], [0], [1], [0, 0, 1, 1], [], []>, transpose_lhs_hint = false} : vector<10000x256xf32>, vector<256x128xf32>, vector<10000x128xf32> -> vector<10000x128xf32>
    %get3A_46 = arith.constant 0 : index
    %get3A_47 = arith.constant 0 : index
    %get3A_48 = vector.load %arg6[%get3A_46, %get3A_47] : memref<1x128xf32, #tpu.memory_space<vmem>>, vector<1x128xf32>
    %add3A_49 = vector.broadcast %get3A_48 : vector<1x128xf32> to vector<10000x128xf32>
    %add3A_50 = arith.addf %dot_general3A_45, %add3A_49 : vector<10000x128xf32>
    %reduce_sum3A_51 = arith.constant dense<0.000000e+00> : vector<128xf32>
    %reduce_sum3A_52 = vector.multi_reduction <add>, %add3A_50, %reduce_sum3A_51 [0] : vector<10000x128xf32> to vector<128xf32>
    %broadcast_in_dim3A_53 = vector.shape_cast %reduce_sum3A_52 : vector<128xf32> to vector<1x128xf32>
    %div3A_54 = arith.constant 1.000000e+04 : f32
    %div3A_55 = vector.broadcast %div3A_54 : f32 to vector<1x128xf32>
    %div3A_56 = arith.divf %broadcast_in_dim3A_53, %div3A_55 : vector<1x128xf32>
    %sub3A_57 = vector.broadcast %div3A_56 : vector<1x128xf32> to vector<10000x128xf32>
    %sub3A_58 = arith.subf %add3A_50, %sub3A_57 : vector<10000x128xf32>
    %sub3A_59 = vector.broadcast %div3A_56 : vector<1x128xf32> to vector<10000x128xf32>
    %sub3A_60 = arith.subf %add3A_50, %sub3A_59 : vector<10000x128xf32>
    %mul3A_61 = arith.mulf %sub3A_58, %sub3A_60 : vector<10000x128xf32>
    %reduce_sum3A_62 = arith.constant dense<0.000000e+00> : vector<128xf32>
    %reduce_sum3A_63 = vector.multi_reduction <add>, %mul3A_61, %reduce_sum3A_62 [0] : vector<10000x128xf32> to vector<128xf32>
    %broadcast_in_dim3A_64 = vector.shape_cast %reduce_sum3A_63 : vector<128xf32> to vector<1x128xf32>
    %div3A_65 = arith.constant 1.000000e+04 : f32
    %div3A_66 = vector.broadcast %div3A_65 : f32 to vector<1x128xf32>
    %div3A_67 = arith.divf %broadcast_in_dim3A_64, %div3A_66 : vector<1x128xf32>
    %sub3A_68 = vector.broadcast %div3A_56 : vector<1x128xf32> to vector<10000x128xf32>
    %sub3A_69 = arith.subf %add3A_50, %sub3A_68 : vector<10000x128xf32>
    %add3A_70 = arith.constant 9.99999974E-6 : f32
    %add3A_71 = vector.broadcast %add3A_70 : f32 to vector<1x128xf32>
    %add3A_72 = arith.addf %div3A_67, %add3A_71 : vector<1x128xf32>
    %rsqrt3A_73 = math.rsqrt %add3A_72 : vector<1x128xf32>
    %mul3A_74 = vector.broadcast %rsqrt3A_73 : vector<1x128xf32> to vector<10000x128xf32>
    %mul3A_75 = arith.mulf %sub3A_69, %mul3A_74 : vector<10000x128xf32>
    %get3A_76 = arith.constant 0 : index
    %get3A_77 = arith.constant 0 : index
    %get3A_78 = vector.load %arg7[%get3A_76, %get3A_77] : memref<1x128xf32, #tpu.memory_space<vmem>>, vector<1x128xf32>
    %mul3A_79 = vector.broadcast %get3A_78 : vector<1x128xf32> to vector<10000x128xf32>
    %mul3A_80 = arith.mulf %mul3A_75, %mul3A_79 : vector<10000x128xf32>
    %get3A_81 = arith.constant 0 : index
    %get3A_82 = arith.constant 0 : index
    %get3A_83 = vector.load %arg8[%get3A_81, %get3A_82] : memref<1x128xf32, #tpu.memory_space<vmem>>, vector<1x128xf32>
    %add3A_84 = vector.broadcast %get3A_83 : vector<1x128xf32> to vector<10000x128xf32>
    %add3A_85 = arith.addf %mul3A_80, %add3A_84 : vector<10000x128xf32>
    %max3A_86 = arith.constant 0.000000e+00 : f32
    %max3A_87 = vector.broadcast %max3A_86 : f32 to vector<10000x128xf32>
    %max3A_88 = arith.maximumf %add3A_85, %max3A_87 : vector<10000x128xf32>
    %get3A_89 = arith.constant 0 : index
    %get3A_90 = arith.constant 0 : index
    %get3A_91 = vector.load %arg9[%get3A_89, %get3A_90] : memref<128x1xf32, #tpu.memory_space<vmem>>, vector<128x1xf32>
    %dot_general3A_92 = arith.constant dense<0.000000e+00> : vector<10000x1xf32>
    %dot_general3A_93 = tpu.matmul %max3A_88, %get3A_91, %dot_general3A_92 {dimension_numbers = #tpu.dot_dimension_numbers<[1], [0], [0], [1], [0, 0, 1, 1], [], []>, transpose_lhs_hint = false} : vector<10000x128xf32>, vector<128x1xf32>, vector<10000x1xf32> -> vector<10000x1xf32>
    %get3A_94 = arith.constant 0 : index
    %get3A_95 = arith.constant 0 : index
    %get3A_96 = vector.load %arg10[%get3A_94, %get3A_95] : memref<1x1xf32, #tpu.memory_space<vmem>>, vector<1x1xf32>
    %add3A_97 = vector.broadcast %get3A_96 : vector<1x1xf32> to vector<10000x1xf32>
    %add3A_98 = arith.addf %dot_general3A_93, %add3A_97 : vector<10000x1xf32>
    %swap3A = arith.constant 0 : index
    %swap3A_99 = arith.constant 0 : index
    %swap3A_100 = vector.load %arg11[%swap3A, %swap3A_99] : memref<10000x1xf32, #tpu.memory_space<vmem>>, vector<10000x1xf32>
    tpu.vector_store %arg11[%swap3A, %swap3A_99], %add3A_98 {strides = array<i32>} : memref<10000x1xf32, #tpu.memory_space<vmem>>, vector<10000x1xf32>,
    return
  }
}

</mosaic_0001>

<sc_bundles>
// kernel: closed_call.18.cloned.1.call-start
scs
__scs_entry_jumppad:
0x0: {  	(pc) =	sbr.rel $0x88, $3  }
0x1: {  	(tag) =	ssettag $0x0;
	lr =	simm.s32 $0x1  }
0x2: {  	[smem:$0x3F8A] =	sst lr;
	_ =	strace $0xD0000000  }
0x3: {  	_ = 	snop  }
0x4: {  	_ = 	snop  }
0x5: {  	_ = 	snop  }
0x6: {  	_ = 	snop  }
0x7: {  	_ = 	snop  }
__scs_overlays_trampoline_lowered:
0x8: {  	[smem:$0x3F99] =	sst s0  }
0x9: {  	[smem:$0x3F9A] =	sst s1  }
0xa: {  	[smem:$0x3F9B] =	sst s2  }
0xb: {  	[smem:$0x3F9C] =	sst s3  }
0xc: {  	[smem:$0x3F9D] =	sst s4  }
0xd: {  	[smem:$0x3F9E] =	sst s5  }
0xe: {  	[smem:$0x3F9F] =	sst s6  }
0xf: {  	[smem:$0x3FA0] =	sst s7  }
0x10: {  	[smem:$0x3FA1] =	sst s8  }
0x11: {  	[smem:$0x3FA2] =	sst s9;
	s0 =	simm.s32 @!p0 $0x0  }
0x12: {  	s1 =	sld [smem:$0x3F88];
	s0 =	simm.s32 @p0 $0x1  }
0x13: {  	[smem:$0x3FA3] =	sst s0;
	s0 =	simm.s32 @!p1 $0x0  }
0x14: {  	s2 =	sld [smem:$0x3F87];
	s0 =	simm.s32 @p1 $0x1  }
0x15: {  	[smem:$0x3FA4] =	sst s0;
	s0 =	simm.s32 @!p2 $0x0  }
0x16: {  	s3 =	sld [smem:$0x3FDB];
	s0 =	simm.s32 @p2 $0x1  }
0x17: {  	s4 =	simm.s32 $0x1BF5;
	[smem:$0x3FA6] =	sst s0  }
0x18: {  	s0 =	sld [smem:$0x3F89];
	_ =	swait.ge [sflag:s4], $0x0  }
0x19: {  	s7 =	sld [smem:$0x3F8A]  }
0x1a: {  	s8 =	sadd.s32 $0xFFFFE003, lr  }
0x1b: {  	s9 =	sadd.s32 $0xFFFFFEF7, lr;
	s5 =	simm.s32 $0xFFFFFFFF;
	p2 =	slt.u32 s8, $0xFFFFF086  }
0x1c: {  	p1 =	slt.u32 s9, $0xF7A;
	s5 =	simm.s32 @!p2 $0x0  }
0x1d: {  	s5 =	simm.s32 @p1 $0x1;
	p0 =	seq.s32 s7, s2  }
0x1e: {  	s7 =	smul.u32 @!p0 $0xF7A, s2;
	p2 =	seq.s32 @!p0 s5, $0x0  }
0x1f: {  	s9 =	smul.u32 $0xF7A, s1;
	s8 =	simm.s32 @!p0 $0x1BF5;
	p2 =	por !p2, p0  }
0x20: {  	[sflag:s8] =	ssyncset.s32 @!p0 $0xFFFFF086;
	s6 =	sadd.s32 @!p0 s3, s7;
	s7 =	simm.s32 @!p0 $0x108  }
0x21: {  	s3 =	sadd.s32 s3, s9;
	s6 =	sadd.s32 @!p0 $0x88, s6;
	s7 =	simm.s32 @p2 $0x1082  }
0x22: {  	[simem:s7], [sflag:s8] =	dma.local @!p0 [hbm:s6], $0xF7A  }
0x23: {  	s9 =	sor.u32 $0xD0000000, s2;
	s6 =	simm.s32 $0x108;
	_ =	swait.ge @!p0 [sflag:s8], $0x0  }
0x24: {  	s3 =	sadd.s32 $0x88, s3;
	s6 =	simm.s32 @!p1 $0x1082;
	[sflag:s4] =	ssyncset.s32 $0xFFFFF086  }
0x25: {  	[simem:s6], [sflag:s4] =	dma.local [hbm:s3], $0xF7A  }
0x26: {  	[smem:$0x3F8A] =	sst s1;
	(tag) =	ssettag s2;
	_ =	strace s9  }
0x27: {  	s1 =	sld [smem:$0x3F9A]  }
0x28: {  	s2 =	sld [smem:$0x3F9B]  }
0x29: {  	s4 =	sld [smem:$0x3F9D]  }
0x2a: {  	p0 =	seq.s32 s5, $0x0;
	s5 =	sld [smem:$0x3F9E]  }
0x2b: {  	s6 =	sld [smem:$0x3F9F]  }
0x2c: {  	s7 =	sld [smem:$0x3FA0]  }
0x2d: {  	s3 =	simm.s32 $0x108;
	s8 =	sld [smem:$0x3FA1]  }
0x2e: {  	s3 =	simm.s32 @!p0 $0x1082;
	s9 =	sld [smem:$0x3FA2]  }
0x2f: {  	lr =	sadd.s32 s0, s3;
	s0 =	sld [smem:$0x3F99]  }
0x30: {  	s3 =	sld [smem:$0x3F9C]  }
0x31: {  	[smem:$0x3FA5] =	sst s10  }
0x32: {  	s10 =	sld [smem:$0x3FA3];
	_ =	sdelay $0x3  }
0x33: {  	p0 =	seq.s32 s10, $0x1;
	s10 =	sld [smem:$0x3FA5];
	_ =	sdelay $0x3  }
0x34: {  	[smem:$0x3FA5] =	sst s10  }
0x35: {  	s10 =	sld [smem:$0x3FA4];
	_ =	sdelay $0x3  }
0x36: {  	p1 =	seq.s32 s10, $0x1;
	s10 =	sld [smem:$0x3FA5];
	_ =	sdelay $0x3  }
0x37: {  	[smem:$0x3FA5] =	sst s10  }
0x38: {  	s10 =	sld [smem:$0x3FA6]  }
0x39: {  	_ = 	snop;
	(pc) =	sbr.ind lr, $3  }
0x3a: {  	_ = 	snop  }
0x3b: {  	_ = 	snop  }
0x3c: {  	p2 =	seq.s32 s10, $0x1;
	s10 =	sld [smem:$0x3FA5]  }
0x3d: {  	_ =	shalt  }
0x3e: {  	_ =	shalt  }
0x3f: {  	_ =	shalt  }
0x40: {  	_ =	shalt  }
0x41: {  	_ =	shalt  }
0x42: {  	_ =	shalt  }
0x43: {  	_ =	shalt  }
0x44: {  	_ =	shalt  }
0x45: {  	_ =	shalt  }
0x46: {  	_ =	shalt  }
0x47: {  	_ =	shalt  }
0x48: {  	_ =	shalt  }
0x49: {  	_ =	shalt  }
0x4a: {  	_ =	shalt  }
0x4b: {  	_ =	shalt  }
0x4c: {  	_ =	shalt  }
0x4d: {  	_ =	shalt  }
0x4e: {  	_ =	shalt  }
0x4f: {  	_ =	shalt  }
0x50: {  	_ =	shalt  }
0x51: {  	_ =	shalt  }
0x52: {  	_ =	shalt  }
0x53: {  	_ =	shalt  }
0x54: {  	_ =	shalt  }
0x55: {  	_ =	shalt  }
0x56: {  	_ =	shalt  }
0x57: {  	_ =	shalt  }
0x58: {  	_ =	shalt  }
0x59: {  	_ =	shalt  }
0x5a: {  	_ =	shalt  }
0x5b: {  	_ =	shalt  }
0x5c: {  	_ =	shalt  }
0x5d: {  	_ =	shalt  }
0x5e: {  	_ =	shalt  }
0x5f: {  	_ =	shalt  }
0x60: {  	_ =	shalt  }
0x61: {  	_ =	shalt  }
0x62: {  	_ =	shalt  }
0x63: {  	_ =	shalt  }
0x64: {  	_ =	shalt  }
0x65: {  	_ =	shalt  }
0x66: {  	_ =	shalt  }
0x67: {  	_ =	shalt  }
0x68: {  	_ =	shalt  }
0x69: {  	_ =	shalt  }
0x6a: {  	_ =	shalt  }
0x6b: {  	_ =	shalt  }
0x6c: {  	_ =	shalt  }
0x6d: {  	_ =	shalt  }
0x6e: {  	_ =	shalt  }
0x6f: {  	_ =	shalt  }
0x70: {  	_ =	shalt  }
0x71: {  	_ =	shalt  }
0x72: {  	_ =	shalt  }
0x73: {  	_ =	shalt  }
0x74: {  	_ =	shalt  }
0x75: {  	_ =	shalt  }
0x76: {  	_ =	shalt  }
0x77: {  	_ =	shalt  }
0x78: {  	_ =	shalt  }
0x79: {  	_ =	shalt  }
0x7a: {  	_ =	shalt  }
0x7b: {  	_ =	shalt  }
0x7c: {  	_ =	shalt  }
0x7d: {  	_ =	shalt  }
0x7e: {  	_ =	shalt  }
0x7f: {  	_ =	shalt  }
0x80: {  	_ =	shalt  }
0x81: {  	_ =	shalt  }
0x82: {  	_ =	shalt  }
0x83: {  	_ =	shalt  }
0x84: {  	_ =	shalt  }
0x85: {  	_ =	shalt  }
0x86: {  	_ =	shalt  }
0x87: {  	_ =	shalt  }
.Lfunc_end0:
.L_simem_size_0:
called_computation_lowered:
.L_overlay_start_0:
0x88: {  	s2 =	sld [smem:$0x3FD9]  }
0x89: {  	s3 =	sld [smem:$0x3FFE];
	_ =	sdelay $0x1  }
0x8a: {  	s1 =	srdreg.scid  }
0x8b: {  	s0 =	sand.u32 $0x1, s1  }
0x8c: {  	s16 =	sshll.u32 s0, $0xA;
	s2 =	sadd.s32 s3, s2  }
0x8d: {  	s2 =	sadd.s32 s2, s16  }
0x8e: {  	[smem:$0x3FB1] =	sst s2  }
0x8f: {  	_ = 	snop  }
0x90: {  	(tm) =	ssettm $0x1  }
0x91: {  	s17 =	sld [smem:$0x3FFB];
	_ =	sdelay $0x3  }
0x92: {  	_ =	strace s17  }
0x93: {  	s2 =	sld [smem:$0x3FFC];
	_ =	sdelay $0x3  }
0x94: {  	_ =	strace s2  }
0x95: {  	s2 =	sld [smem:$0x3FFD];
	_ =	sdelay $0x3  }
0x96: {  	_ =	strace s2  }
0x97: {  	_ =	strace $0x8FFFFFFF  }
0x98: {  	s18 =	sld [smem:$0x3FDB];
	_ =	sdelay $0x1  }
0x99: {  	s19 =	simm.s32 $_scs_section_size  }
0x9a: {  	s4 =	simm.s32 $_size__tile_overlayer_lowered;
	s5 =	simm.s32 $_tile_overlayer_lowered  }
0x9b: {  	s22 =	simm.s32 $0x1BFF;
	s21 =	sshll.u32 s5, $0x1;
	s2 =	sadd.s32 s19, s18  }
0x9c: {  	s6 =	simm.s32 $0x0;
	s20 =	sshll.u32 s4, $0x1;
	s4 =	sadd.s32 s21, s2  }
0x9d: {  	[timem:s6], [sflag:s22] =	dma.local [hbm:s4], s20  }
0x9e: {  	_ =	swait.ge [sflag:s22], s20  }
0x9f: {  	s3 =	ssub.s32 $0x0, s20;
	[sflag:s22] =	ssyncset.done $0x0  }
0xa0: {  	[sflag:s22] =	ssyncadd.s32 s3;
	_ =	sdelay $0x1  }
0xa1: {  	s23 =	simm.s32 $0x1B8B  }
0xa2: {  	_ =	swait.ge [sflag:s23], $0x1  }
0xa3: {  	[sflag:s23] =	ssyncset.done $0x0  }
0xa4: {  	s25 =	simm.s32 $0x1B8E;
	s24 =	sld [smem:$0x3FFE];
	[sflag:s23] =	ssyncadd.s32 $0xFFFFFFFF  }
0xa5: {  	s26 =	simm.s32 $execute0_lowered;
	[smem:$0x3FD2] =	sst s25  }
0xa6: {  	s4 =	sshll.u32 s26, $0x1;
	_ =	strace $0x80000046;
	[dreg:$0x1] =	wrdreg $0xFFFFFFFF  }
0xa7: {  	s28 =	simm.s32 $_size_execute0_lowered;
	s2 =	sadd.s32 s2, s4;
	[dreg:$0x0] =	wrdreg $0x0  }
0xa8: {  	s4 =	sshll.u32 s28, $0x1;
	[dreg:$0x2] =	wrdreg s2  }
0xa9: {  	[dreg:$0x3] =	wrdreg s4  }
0xaa: {  	[dreg:$0x4] =	wrdreg $0xC0  }
0xab: {  	_ =	task [dreg:s6], $0x5FFFF  }
0xac: {  	[dreg:$0x1] =	wrdreg $0xFFFFFFFF  }
0xad: {  	[dreg:$0x0] =	wrdreg $0x60  }
0xae: {  	[dreg:$0x2] =	wrdreg s24  }
0xaf: {  	[dreg:$0x3] =	wrdreg $0x150000  }
0xb0: {  	[dreg:$0x4] =	wrdreg $0x9  }
0xb1: {  	_ =	task.clear_ibuf [dreg:s6], $0x5FFFF;
	_ =	strace $0x90000046  }
0xb2: {  	s29 =	simm.s32 $0x9;
	_ =	strace $0x80000048  }
0xb3: {  	_ =	swait.ge [sflag:s29], $0x1  }
0xb4: {  	[sflag:s29] =	ssyncadd.s32 $0xFFFFFFFF  }
0xb5: {  	_ =	strace $0x90000048  }
0xb6: {  	_ =	sfence  }
0xb7: {  	s30 =	sld [smem:$0x0];
	_ =	sdelay $0x2  }
0xb8: {  	s31 =	sshll.u32 s1, $0xD;
	s1 =	sshrl.u32 s1, $0x2  }
0xb9: {  	s3 =	sand.u32 $0x4000, s31;
	s1 =	sadd.s32 s1, s30  }
0xba: {  	s0 =	sor.u32 s3, s0;
	s1 =	sshll.u32 s1, $0x11  }
0xbb: {  	s0 =	sor.u32 s1, s0  }
0xbc: {  	s0 =	sadd.s32 $0x8F2B, s0  }
0xbd: {  	[sflag:s0] =	ssyncadd.remote.s32 $0x1  }
0xbe: {  	_ =	sfence.sel $0xFFFF  }
0xbf: {  	[dreg:$0x0] =	wrdreg $0xFFFFFFFF;
	(pc) =	sbr.abs _section_cstart, $3  }
0xc0: {  	[dreg:$0x1] =	wrdreg $0xFFFFFFFF  }
0xc1: {  	_ =	task.clear_ibuf [dreg:s6], $0x2FFFF;
	_ =	strace $0x9FFFFFFF  }
0xc2: {  	(tm) =	ssettm $0x7FFFFFFF  }
0xc3: {  	_ =	shalt  }
tec
execute0_lowered:
.L_overlay_start_1:
0x0: {  	(tag) =	ssettag $0x1  }
0x1: {  	s5 =	rddreg [dreg:$0x0];
	s0 =	srdreg.scid  }
0x2: {  	s2 =	rddreg [dreg:$0x1];
	s1 =	stileid.u32  }
0x3: {  	s3 =	simm.s32 $0x0;
	s14 =	simm.s32 $0x3;
	s15 =	simm.s32 $0x2800  }
0x4: {  	s16 =	simm.s32 $0xD000;
	s17 =	simm.s32 $0x80;
	s18 =	simm.s32 $0x5000  }
0x5: {  	s19 =	simm.s32 $0x9000;
	s20 =	simm.s32 $0x1;
	s21 =	simm.s32 $0x2  }
0x6: {  	s22 =	simm.s32 $0x4F00;
	s6 =	sand.u32 $0x1, s0;
	s0 =	rddreg [dreg:$0x2]  }
0x7: {  	s23 =	simm.s32 $0x4F80;
	s24 =	simm.s32 $0x0;
	[smem:$0x7FF] =	sst s3  }
0x8: {  	s9 =	sshll.u32 s1, $0xF;
	s4 =	sshll.u32 s6, $0x4;
	s7 =	smul.u32 $0x180000, s6  }
0x9: {  	_ =	strace $0x80000047;
	s6 =	ssub.s32 $0x2, s6;
	s4 =	sor.u32 s1, s4  }
0xa: {  	s31 =	sshrl.u32 s6, $0x1;
	s8 =	smul.u32 $0x2800, s4;
	s7 =	sor.u32 s9, s7  }
0xb: {  	s4 =	sadd.s32 $0x2CA00, s5;
	s13 =	ssub.s32 s6, s31;
	s7 =	sshrl.u32 s7, $0x3  }
0xc: {  	s13 =	smax.u32 s13, $0x1;
	s8 =	sshrl.u32 s8, $0x3;
	s12 =	sadd.s32 s7, s5  }
0xd: {  	s7 =	sadd.s32 s9, s2;
	s11 =	sadd.s32 s8, s5;
	s8 =	sadd.s32 $0x7D400, s12  }
0xe: {  	s10 =	sadd.s32 $0x8D400, s12;
	s12 =	sadd.s32 $0x9D400, s12;
	s5 =	sadd.s32 $0x71C00, s11  }
0xf: {  	v0 =	vimm.s32 $0x0;
	s6 =	sadd.s32 $0x53C00, s11;
	s9 =	sadd.s32 $0x5DC00, s11;
	s11 =	sadd.s32 $0x67C00, s11  }
.LBB2_1:
0x10: {  	[tilespmem:s3], [sflag:$0x3] =	stream.linear.gather [hbm4b:s5+s3], $0x2800, $0x38;
	[tilespmem:$0x1D000] =	vst v63  }
0x11: {  	_ =	swait.ge [sflag:s14], $0x2800  }
0x12: {  	[sflag:s14] =	ssyncset.done $0x0  }
0x13: {  	s25 =	simm.s32 $0x0;
	s26 =	simm.s32 $0x200;
	[sflag:s14] =	ssyncadd.s32 $0xFFFFD800  }
.LBB2_2:
0x14: {  	p0 =	sne.s32 s26, $0x1FE00;
	[tilespmem:s25+$0xD070] =	vst v0  }
0x15: {  	[tilespmem:s25+$0xD000] =	vst v0  }
0x16: {  	[tilespmem:s25+$0xD010] =	vst v0  }
.Ltmp0:
0x17: {  	[tilespmem:s25+$0xD020] =	vst v0;
	(pc) =	sbr.rel @p0 .LBB2_2-.Ltmp0, $4  }
0x18: {  	[tilespmem:s25+$0xD030] =	vst v0  }
0x19: {  	[tilespmem:s25+$0xD040] =	vst v0  }
0x1a: {  	[tilespmem:s25+$0xD050] =	vst v0  }
0x1b: {  	[tilespmem:s25+$0xD060] =	vst v0;
	s25 =	sshra.s32 s26, $0x2;
	s26 =	sadd.s32 $0x200, s26  }
0x1c: {  	[tilespmem:s25+$0xD070] =	vst v0  }
0x1d: {  	[tilespmem:s25+$0xD000] =	vst v0  }
0x1e: {  	[tilespmem:s25+$0xD010] =	vst v0  }
0x1f: {  	[tilespmem:s25+$0xD020] =	vst v0  }
0x20: {  	[tilespmem:s25+$0xD030] =	vst v0  }
0x21: {  	[tilespmem:s25+$0xD040] =	vst v0  }
0x22: {  	[tilespmem:s25+$0xD050] =	vst v0  }
0x23: {  	[tilespmem:s25+$0xD060] =	vst v0;
	s28 =	simm.s32 $0x0  }
0x24: {  	[tilespmem:s15], [sflag:$0x3] =	stream.linear.gather [hbm4b:s6+s28], $0x2800, $0x38;
	[tilespmem:$0x1D000] =	vst v63  }
0x25: {  	_ =	swait.ge [sflag:s14], $0x2800  }
0x26: {  	[sflag:s14] =	ssyncset.done $0x0  }
0x27: {  	[sflag:s14] =	ssyncadd.s32 $0xFFFFD800  }
0x28: {  	[spmem:s7] =	stream.linear.scatter [tilespmem:s16], [sflag:$0x3], $0x8000, $0x38;
	[tilespmem:$0x1D000] =	vst v63  }
0x29: {  	_ =	swait.ge [sflag:s14], $0x8000  }
0x2a: {  	[sflag:s14] =	ssyncset.done $0x0  }
0x2b: {  	[sflag:s14] =	ssyncadd.s32 $0xFFFF8000  }
0x2c: {  	[bflag:$0x0] =	sbarrier.arrive $0xFFFF  }
0x2d: {  	[tilespmem:s18], [sflag:$0x1] =	stream.indirect.gather [hbm4b:s4+s17], $0x80, s28, s17, $0xb8;
	[tilespmem:$0x1D000] =	vst v63  }
0x2e: {  	_ = 	snop  }
0x2f: {  	[tilespmem:s19], [sflag:$0x2] =	stream.indirect.gather [hbm4b:s4+s17], $0x80, s17, s17, $0xb8;
	[tilespmem:$0x1D000] =	vst v63  }
0x30: {  	_ =	swait.ge [sflag:s20], $0x4000  }
0x31: {  	[sflag:s20] =	ssyncset.done $0x0  }
0x32: {  	s29 =	simm.s32 $0x2800;
	[sflag:s20] =	ssyncadd.s32 $0xFFFFC000  }
0x33: {  	[spmem:s2] =	stream.indirect.scatter.add.s32 [tilespmem:s18], [sflag:$0x3], $0x80, s29, s17, $0xb8;
	[tilespmem:$0x1D000] =	vst v63  }
0x34: {  	_ =	swait.ge [sflag:s14], $0x4000  }
0x35: {  	[sflag:s14] =	ssyncset.done $0x0  }
0x36: {  	s30 =	simm.s32 $0x100;
	[sflag:s14] =	ssyncadd.s32 $0xFFFFC000  }
0x37: {  	[tilespmem:s18], [sflag:$0x1] =	stream.indirect.gather [hbm4b:s4+s17], $0x80, s30, s17, $0xb8;
	[tilespmem:$0x1D000] =	vst v63  }
0x38: {  	_ =	swait.ge [sflag:s21], $0x4000  }
0x39: {  	[sflag:s21] =	ssyncset.done $0x0  }
0x3a: {  	s31 =	simm.s32 $0x2880;
	[sflag:s21] =	ssyncadd.s32 $0xFFFFC000  }
0x3b: {  	[spmem:s2] =	stream.indirect.scatter.add.s32 [tilespmem:s19], [sflag:$0x3], $0x80, s31, s17, $0xb8;
	[tilespmem:$0x1D000] =	vst v63  }
0x3c: {  	_ =	swait.ge [sflag:s14], $0x4000  }
0x3d: {  	[sflag:s14] =	ssyncset.done $0x0  }
0x3e: {  	s25 =	simm.s32 $0x400;
	s26 =	simm.s32 $0x180;
	[sflag:s14] =	ssyncadd.s32 $0xFFFFC000  }
.LBB2_4:
0x3f: {  	[tilespmem:s19], [sflag:$0x2] =	stream.indirect.gather [hbm4b:s4+s17], $0x80, s26, s17, $0xb8;
	[tilespmem:$0x1D000] =	vst v63  }
0x40: {  	s26 =	smov.u32 s25  }
0x41: {  	p0 =	sne.s32 s25, $0x9800;
	s25 =	sadd.s32 $0x400, s25;
	_ =	swait.ge [sflag:s20], $0x4000  }
0x42: {  	s26 =	sshra.s32 s26, $0x2;
	[sflag:s20] =	ssyncset.done $0x0  }
0x43: {  	s28 =	sadd.s32 $0x2800, s26;
	[sflag:s20] =	ssyncadd.s32 $0xFFFFC000  }
0x44: {  	[spmem:s2] =	stream.indirect.scatter.add.s32 [tilespmem:s18], [sflag:$0x3], $0x80, s28, s17, $0xb8;
	[tilespmem:$0x1D000] =	vst v63  }
0x45: {  	_ =	swait.ge [sflag:s14], $0x4000  }
0x46: {  	[sflag:s14] =	ssyncset.done $0x0  }
0x47: {  	s28 =	sadd.s32 $0x100, s26;
	[sflag:s14] =	ssyncadd.s32 $0xFFFFC000  }
0x48: {  	[tilespmem:s18], [sflag:$0x1] =	stream.indirect.gather [hbm4b:s4+s17], $0x80, s28, s17, $0xb8;
	[tilespmem:$0x1D000] =	vst v63  }
0x49: {  	_ =	swait.ge [sflag:s21], $0x4000  }
0x4a: {  	[sflag:s21] =	ssyncset.done $0x0  }
.Ltmp1:
0x4b: {  	s28 =	sadd.s32 $0x2880, s26;
	[sflag:s21] =	ssyncadd.s32 $0xFFFFC000;
	(pc) =	sbr.rel @p0 .LBB2_4-.Ltmp1, $4  }
0x4c: {  	[spmem:s2] =	stream.indirect.scatter.add.s32 [tilespmem:s19], [sflag:$0x3], $0x80, s28, s17, $0xb8;
	[tilespmem:$0x1D000] =	vst v63  }
0x4d: {  	_ =	swait.ge [sflag:s14], $0x4000  }
0x4e: {  	[sflag:s14] =	ssyncset.done $0x0  }
0x4f: {  	s26 =	sadd.s32 $0x180, s26;
	[sflag:s14] =	ssyncadd.s32 $0xFFFFC000  }
0x50: {  	[tilespmem:s19], [sflag:$0x2] =	stream.indirect.gather [hbm4b:s4+s17], $0x80, s26, s17, $0xb8;
	[tilespmem:$0x1D000] =	vst v63  }
0x51: {  	_ =	swait.ge [sflag:s20], $0x4000  }
0x52: {  	[sflag:s20] =	ssyncset.done $0x0  }
0x53: {  	[sflag:s20] =	ssyncadd.s32 $0xFFFFC000  }
0x54: {  	[spmem:s2] =	stream.indirect.scatter.add.s32 [tilespmem:s18], [sflag:$0x3], $0x80, s22, s17, $0xb8;
	[tilespmem:$0x1D000] =	vst v63  }
0x55: {  	_ =	swait.ge [sflag:s14], $0x4000  }
0x56: {  	[sflag:s14] =	ssyncset.done $0x0  }
0x57: {  	[sflag:s14] =	ssyncadd.s32 $0xFFFFC000  }
0x58: {  	_ =	swait.ge [sflag:s21], $0x4000  }
0x59: {  	[sflag:s21] =	ssyncset.done $0x0  }
0x5a: {  	[sflag:s21] =	ssyncadd.s32 $0xFFFFC000  }
0x5b: {  	[spmem:s2] =	stream.indirect.scatter.add.s32 [tilespmem:s19], [sflag:$0x3], $0x80, s23, s17, $0xb8;
	[tilespmem:$0x1D000] =	vst v63  }
0x5c: {  	_ =	swait.ge [sflag:s14], $0x4000  }
0x5d: {  	[sflag:s14] =	ssyncset.done $0x0  }
0x5e: {  	s25 =	sshll.u32 s1, $0x6;
	[sflag:s14] =	ssyncadd.s32 $0xFFFFC000  }
0x5f: {  	s26 =	sshrl.u32 s7, $0x3;
	s25 =	sor.u32 $0x1C03, s25;
	[bflag:$0x0] =	sbarrier.arrive $0xFFFF  }
0x60: {  	[hbm:s8], [sflag:s25] =	dma.local [spmem:s26], $0x1000  }
0x61: {  	_ =	swait.ge [sflag:s14], $0x1000  }
0x62: {  	[sflag:s14] =	ssyncset.done $0x0  }
0x63: {  	s28 =	simm.s32 $0x0;
	[sflag:s14] =	ssyncadd.s32 $0xFFFFF000  }
0x64: {  	[tilespmem:s15], [sflag:$0x3] =	stream.linear.gather [hbm4b:s9+s28], $0x2800, $0x38;
	[tilespmem:$0x1D000] =	vst v63  }
0x65: {  	_ =	swait.ge [sflag:s14], $0x2800  }
0x66: {  	[sflag:s14] =	ssyncset.done $0x0  }
0x67: {  	[sflag:s14] =	ssyncadd.s32 $0xFFFFD800  }
0x68: {  	[spmem:s7] =	stream.linear.scatter [tilespmem:s16], [sflag:$0x3], $0x8000, $0x38;
	[tilespmem:$0x1D000] =	vst v63  }
0x69: {  	_ =	swait.ge [sflag:s14], $0x8000  }
0x6a: {  	[sflag:s14] =	ssyncset.done $0x0  }
0x6b: {  	[sflag:s14] =	ssyncadd.s32 $0xFFFF8000  }
0x6c: {  	[bflag:$0x0] =	sbarrier.arrive $0xFFFF  }
0x6d: {  	[tilespmem:s18], [sflag:$0x1] =	stream.indirect.gather [hbm4b:s4+s17], $0x80, s28, s17, $0xb8;
	[tilespmem:$0x1D000] =	vst v63  }
0x6e: {  	_ = 	snop  }
0x6f: {  	[tilespmem:s19], [sflag:$0x2] =	stream.indirect.gather [hbm4b:s4+s17], $0x80, s17, s17, $0xb8;
	[tilespmem:$0x1D000] =	vst v63  }
0x70: {  	_ =	swait.ge [sflag:s20], $0x4000  }
0x71: {  	[sflag:s20] =	ssyncset.done $0x0  }
0x72: {  	s28 =	simm.s32 $0x2800;
	[sflag:s20] =	ssyncadd.s32 $0xFFFFC000  }
0x73: {  	[spmem:s2] =	stream.indirect.scatter.add.s32 [tilespmem:s18], [sflag:$0x3], $0x80, s28, s17, $0xb8;
	[tilespmem:$0x1D000] =	vst v63  }
0x74: {  	_ =	swait.ge [sflag:s14], $0x4000  }
0x75: {  	[sflag:s14] =	ssyncset.done $0x0  }
0x76: {  	s28 =	simm.s32 $0x100;
	[sflag:s14] =	ssyncadd.s32 $0xFFFFC000  }
0x77: {  	[tilespmem:s18], [sflag:$0x1] =	stream.indirect.gather [hbm4b:s4+s17], $0x80, s28, s17, $0xb8;
	[tilespmem:$0x1D000] =	vst v63  }
0x78: {  	_ =	swait.ge [sflag:s21], $0x4000  }
0x79: {  	[sflag:s21] =	ssyncset.done $0x0  }
0x7a: {  	s28 =	simm.s32 $0x2880;
	[sflag:s21] =	ssyncadd.s32 $0xFFFFC000  }
0x7b: {  	[spmem:s2] =	stream.indirect.scatter.add.s32 [tilespmem:s19], [sflag:$0x3], $0x80, s28, s17, $0xb8;
	[tilespmem:$0x1D000] =	vst v63  }
0x7c: {  	_ =	swait.ge [sflag:s14], $0x4000  }
0x7d: {  	[sflag:s14] =	ssyncset.done $0x0  }
0x7e: {  	s29 =	simm.s32 $0x180;
	s28 =	simm.s32 $0x400;
	[sflag:s14] =	ssyncadd.s32 $0xFFFFC000  }
.LBB2_6:
0x7f: {  	[tilespmem:s19], [sflag:$0x2] =	stream.indirect.gather [hbm4b:s4+s17], $0x80, s29, s17, $0xb8;
	[tilespmem:$0x1D000] =	vst v63  }
0x80: {  	s29 =	smov.u32 s28  }
0x81: {  	p0 =	sne.s32 s28, $0x9800;
	s28 =	sadd.s32 $0x400, s28;
	_ =	swait.ge [sflag:s20], $0x4000  }
0x82: {  	s29 =	sshra.s32 s29, $0x2;
	[sflag:s20] =	ssyncset.done $0x0  }
0x83: {  	s30 =	sadd.s32 $0x2800, s29;
	[sflag:s20] =	ssyncadd.s32 $0xFFFFC000  }
0x84: {  	[spmem:s2] =	stream.indirect.scatter.add.s32 [tilespmem:s18], [sflag:$0x3], $0x80, s30, s17, $0xb8;
	[tilespmem:$0x1D000] =	vst v63  }
0x85: {  	_ =	swait.ge [sflag:s14], $0x4000  }
0x86: {  	[sflag:s14] =	ssyncset.done $0x0  }
0x87: {  	s30 =	sadd.s32 $0x100, s29;
	[sflag:s14] =	ssyncadd.s32 $0xFFFFC000  }
0x88: {  	[tilespmem:s18], [sflag:$0x1] =	stream.indirect.gather [hbm4b:s4+s17], $0x80, s30, s17, $0xb8;
	[tilespmem:$0x1D000] =	vst v63  }
0x89: {  	_ =	swait.ge [sflag:s21], $0x4000  }
0x8a: {  	[sflag:s21] =	ssyncset.done $0x0  }
.Ltmp2:
0x8b: {  	s30 =	sadd.s32 $0x2880, s29;
	[sflag:s21] =	ssyncadd.s32 $0xFFFFC000;
	(pc) =	sbr.rel @p0 .LBB2_6-.Ltmp2, $4  }
0x8c: {  	[spmem:s2] =	stream.indirect.scatter.add.s32 [tilespmem:s19], [sflag:$0x3], $0x80, s30, s17, $0xb8;
	[tilespmem:$0x1D000] =	vst v63  }
0x8d: {  	_ =	swait.ge [sflag:s14], $0x4000  }
0x8e: {  	[sflag:s14] =	ssyncset.done $0x0  }
0x8f: {  	s29 =	sadd.s32 $0x180, s29;
	[sflag:s14] =	ssyncadd.s32 $0xFFFFC000  }
0x90: {  	[tilespmem:s19], [sflag:$0x2] =	stream.indirect.gather [hbm4b:s4+s17], $0x80, s29, s17, $0xb8;
	[tilespmem:$0x1D000] =	vst v63  }
0x91: {  	_ =	swait.ge [sflag:s20], $0x4000  }
0x92: {  	[sflag:s20] =	ssyncset.done $0x0  }
0x93: {  	[sflag:s20] =	ssyncadd.s32 $0xFFFFC000  }
0x94: {  	[spmem:s2] =	stream.indirect.scatter.add.s32 [tilespmem:s18], [sflag:$0x3], $0x80, s22, s17, $0xb8;
	[tilespmem:$0x1D000] =	vst v63  }
0x95: {  	_ =	swait.ge [sflag:s14], $0x4000  }
0x96: {  	[sflag:s14] =	ssyncset.done $0x0  }
0x97: {  	[sflag:s14] =	ssyncadd.s32 $0xFFFFC000  }
0x98: {  	_ =	swait.ge [sflag:s21], $0x4000  }
0x99: {  	[sflag:s21] =	ssyncset.done $0x0  }
0x9a: {  	[sflag:s21] =	ssyncadd.s32 $0xFFFFC000  }
0x9b: {  	[spmem:s2] =	stream.indirect.scatter.add.s32 [tilespmem:s19], [sflag:$0x3], $0x80, s23, s17, $0xb8;
	[tilespmem:$0x1D000] =	vst v63  }
0x9c: {  	_ =	swait.ge [sflag:s14], $0x4000  }
0x9d: {  	[sflag:s14] =	ssyncset.done $0x0  }
0x9e: {  	[sflag:s14] =	ssyncadd.s32 $0xFFFFC000  }
0x9f: {  	[bflag:$0x0] =	sbarrier.arrive $0xFFFF  }
0xa0: {  	[hbm:s10], [sflag:s25] =	dma.local [spmem:s26], $0x1000  }
0xa1: {  	_ =	swait.ge [sflag:s14], $0x1000  }
0xa2: {  	[sflag:s14] =	ssyncset.done $0x0  }
0xa3: {  	s28 =	simm.s32 $0x0;
	[sflag:s14] =	ssyncadd.s32 $0xFFFFF000  }
0xa4: {  	[tilespmem:s15], [sflag:$0x3] =	stream.linear.gather [hbm4b:s11+s28], $0x2800, $0x38;
	[tilespmem:$0x1D000] =	vst v63  }
0xa5: {  	_ =	swait.ge [sflag:s14], $0x2800  }
0xa6: {  	[sflag:s14] =	ssyncset.done $0x0  }
0xa7: {  	[sflag:s14] =	ssyncadd.s32 $0xFFFFD800  }
0xa8: {  	[spmem:s7] =	stream.linear.scatter [tilespmem:s16], [sflag:$0x3], $0x8000, $0x38;
	[tilespmem:$0x1D000] =	vst v63  }
0xa9: {  	_ =	swait.ge [sflag:s14], $0x8000  }
0xaa: {  	[sflag:s14] =	ssyncset.done $0x0  }
0xab: {  	[sflag:s14] =	ssyncadd.s32 $0xFFFF8000  }
0xac: {  	[bflag:$0x0] =	sbarrier.arrive $0xFFFF  }
0xad: {  	[tilespmem:s18], [sflag:$0x1] =	stream.indirect.gather [hbm4b:s4+s17], $0x80, s28, s17, $0xb8;
	[tilespmem:$0x1D000] =	vst v63  }
0xae: {  	_ = 	snop  }
0xaf: {  	[tilespmem:s19], [sflag:$0x2] =	stream.indirect.gather [hbm4b:s4+s17], $0x80, s17, s17, $0xb8;
	[tilespmem:$0x1D000] =	vst v63  }
0xb0: {  	_ =	swait.ge [sflag:s20], $0x4000  }
0xb1: {  	[sflag:s20] =	ssyncset.done $0x0  }
0xb2: {  	s28 =	simm.s32 $0x2800;
	[sflag:s20] =	ssyncadd.s32 $0xFFFFC000  }
0xb3: {  	[spmem:s2] =	stream.indirect.scatter.add.s32 [tilespmem:s18], [sflag:$0x3], $0x80, s28, s17, $0xb8;
	[tilespmem:$0x1D000] =	vst v63  }
0xb4: {  	_ =	swait.ge [sflag:s14], $0x4000  }
0xb5: {  	[sflag:s14] =	ssyncset.done $0x0  }
0xb6: {  	s28 =	simm.s32 $0x100;
	[sflag:s14] =	ssyncadd.s32 $0xFFFFC000  }
0xb7: {  	[tilespmem:s18], [sflag:$0x1] =	stream.indirect.gather [hbm4b:s4+s17], $0x80, s28, s17, $0xb8;
	[tilespmem:$0x1D000] =	vst v63  }
0xb8: {  	_ =	swait.ge [sflag:s21], $0x4000  }
0xb9: {  	[sflag:s21] =	ssyncset.done $0x0  }
0xba: {  	s28 =	simm.s32 $0x2880;
	[sflag:s21] =	ssyncadd.s32 $0xFFFFC000  }
0xbb: {  	[spmem:s2] =	stream.indirect.scatter.add.s32 [tilespmem:s19], [sflag:$0x3], $0x80, s28, s17, $0xb8;
	[tilespmem:$0x1D000] =	vst v63  }
0xbc: {  	_ =	swait.ge [sflag:s14], $0x4000  }
0xbd: {  	[sflag:s14] =	ssyncset.done $0x0  }
0xbe: {  	s29 =	simm.s32 $0x180;
	s28 =	simm.s32 $0x400;
	[sflag:s14] =	ssyncadd.s32 $0xFFFFC000  }
.LBB2_8:
0xbf: {  	[tilespmem:s19], [sflag:$0x2] =	stream.indirect.gather [hbm4b:s4+s17], $0x80, s29, s17, $0xb8;
	[tilespmem:$0x1D000] =	vst v63  }
0xc0: {  	s29 =	smov.u32 s28  }
0xc1: {  	p0 =	sne.s32 s28, $0x9800;
	s28 =	sadd.s32 $0x400, s28;
	_ =	swait.ge [sflag:s20], $0x4000  }
0xc2: {  	s29 =	sshra.s32 s29, $0x2;
	[sflag:s20] =	ssyncset.done $0x0  }
0xc3: {  	s30 =	sadd.s32 $0x2800, s29;
	[sflag:s20] =	ssyncadd.s32 $0xFFFFC000  }
0xc4: {  	[spmem:s2] =	stream.indirect.scatter.add.s32 [tilespmem:s18], [sflag:$0x3], $0x80, s30, s17, $0xb8;
	[tilespmem:$0x1D000] =	vst v63  }
0xc5: {  	_ =	swait.ge [sflag:s14], $0x4000  }
0xc6: {  	[sflag:s14] =	ssyncset.done $0x0  }
0xc7: {  	s30 =	sadd.s32 $0x100, s29;
	[sflag:s14] =	ssyncadd.s32 $0xFFFFC000  }
0xc8: {  	[tilespmem:s18], [sflag:$0x1] =	stream.indirect.gather [hbm4b:s4+s17], $0x80, s30, s17, $0xb8;
	[tilespmem:$0x1D000] =	vst v63  }
0xc9: {  	_ =	swait.ge [sflag:s21], $0x4000  }
0xca: {  	[sflag:s21] =	ssyncset.done $0x0  }
.Ltmp3:
0xcb: {  	s30 =	sadd.s32 $0x2880, s29;
	[sflag:s21] =	ssyncadd.s32 $0xFFFFC000;
	(pc) =	sbr.rel @p0 .LBB2_8-.Ltmp3, $4  }
0xcc: {  	[spmem:s2] =	stream.indirect.scatter.add.s32 [tilespmem:s19], [sflag:$0x3], $0x80, s30, s17, $0xb8;
	[tilespmem:$0x1D000] =	vst v63  }
0xcd: {  	_ =	swait.ge [sflag:s14], $0x4000  }
0xce: {  	[sflag:s14] =	ssyncset.done $0x0  }
0xcf: {  	s29 =	sadd.s32 $0x180, s29;
	[sflag:s14] =	ssyncadd.s32 $0xFFFFC000  }
0xd0: {  	[tilespmem:s19], [sflag:$0x2] =	stream.indirect.gather [hbm4b:s4+s17], $0x80, s29, s17, $0xb8;
	[tilespmem:$0x1D000] =	vst v63  }
0xd1: {  	_ =	swait.ge [sflag:s20], $0x4000  }
0xd2: {  	[sflag:s20] =	ssyncset.done $0x0  }
0xd3: {  	[sflag:s20] =	ssyncadd.s32 $0xFFFFC000  }
0xd4: {  	[spmem:s2] =	stream.indirect.scatter.add.s32 [tilespmem:s18], [sflag:$0x3], $0x80, s22, s17, $0xb8;
	[tilespmem:$0x1D000] =	vst v63  }
0xd5: {  	_ =	swait.ge [sflag:s14], $0x4000  }
0xd6: {  	[sflag:s14] =	ssyncset.done $0x0  }
0xd7: {  	[sflag:s14] =	ssyncadd.s32 $0xFFFFC000  }
0xd8: {  	_ =	swait.ge [sflag:s21], $0x4000  }
0xd9: {  	[sflag:s21] =	ssyncset.done $0x0  }
0xda: {  	[sflag:s21] =	ssyncadd.s32 $0xFFFFC000  }
0xdb: {  	[spmem:s2] =	stream.indirect.scatter.add.s32 [tilespmem:s19], [sflag:$0x3], $0x80, s23, s17, $0xb8;
	[tilespmem:$0x1D000] =	vst v63  }
0xdc: {  	_ =	swait.ge [sflag:s14], $0x4000  }
0xdd: {  	s24 =	sadd.s32 $0x1, s24;
	[sflag:s14] =	ssyncset.done $0x0  }
0xde: {  	p0 =	sne.s32 s24, s13;
	[sflag:s14] =	ssyncadd.s32 $0xFFFFC000  }
.Ltmp4:
0xdf: {  	[bflag:$0x0] =	sbarrier.arrive $0xFFFF;
	(pc) =	sbr.rel @p0 .LBB2_1-.Ltmp4, $4  }
0xe0: {  	[hbm:s12], [sflag:s25] =	dma.local [spmem:s26], $0x1000  }
0xe1: {  	_ =	swait.ge [sflag:s14], $0x1000  }
0xe2: {  	[sflag:s14] =	ssyncset.done $0x0  }
0xe3: {  	[sflag:s14] =	ssyncadd.s32 $0xFFFFF000  }
0xe4: {  	_ =	sfence.sel $0x180000  }
0xe5: {  	[bflag:$0x0] =	sbarrier.arrive $0xFFFF  }
0xe6: {  	p0 =	sne.s32 s1, $0x0;
	_ =	strace $0x90000047  }
0xe7: {  	s0 =	sadd.s32 @!p0 $0x100000, s0;
	[bflag:$0x2] =	sbarrier.arrive $0xFFFF  }
0xe8: {  	[sflag:s0] =	ssyncadd.tile.s32 @!p0 $0x1;
	_ =	shalt  }
.Lfunc_end2:
_tile_overlayer_lowered:
.L_overlay_start_2:
0xe9: {  	(tag) =	ssettag $0x2  }
0xea: {  	s0 =	rddreg [dreg:$0x0];
	s2 =	stileid.u32  }
0xeb: {  	s1 =	rddreg [dreg:$0x1];
	p0 =	sne.s32 s2, $0x0  }
0xec: {  	s3 =	rddreg [dreg:$0x2];
	[bflag:$0x3] =	sbarrier.arrive $0xFFFF;
	s2 =	simm.s32 @!p0 $0x1C03  }
0xed: {  	[timem:s3], [sflag:s2] =	dma.local @!p0 [hbm:s0], s1  }
0xee: {  	s0 =	simm.s32 @!p0 $0x3  }
0xef: {  	_ =	swait.ge @!p0 [sflag:s0], s1  }
0xf0: {  	s1 =	ssub.s32 @!p0 $0x0, s1;
	[sflag:s0] =	ssyncset.done @!p0 $0x0  }
0xf1: {  	[sflag:s0] =	ssyncadd.s32 @!p0 s1  }
0xf2: {  	[bflag:$0x3] =	sbarrier.arrive $0xFFFF  }
0xf3: {  	_ =	shalt  }

</sc_bundles>
